<compile_context>
chip_gen: v7x
topology: tpu7x:2x2x1
jax: 0.10.2.dev20260603
libtpu: 0.0.44.dev20260713+nightly
codegen_flags: <defaults>
</compile_context>

<pallas_src>
import functools

import jax
import jax.numpy as jnp
from jax import lax
from jax.experimental import pallas as pl
from jax.experimental.pallas import tpu as pltpu
from jax.experimental.pallas import tpu_sc as plsc

N = 10000
NP = 10240
E = 320000
D_IN = 128
D_HID = 128
D_OUT = 64

NC = 2
NS = 16
LANES = 16
K = 128
NCHUNK = 158
EPS = NCHUNK * K
EP = NS * EPS
HC = NCHUNK // NC
RPS = NP // NS
ZR = 128

BR = 2048


def _mesh():
    return plsc.VectorSubcoreMesh(
        core_axis_name="c", subcore_axis_name="s",
        num_cores=NC, num_subcores=NS)


_SC_PARAMS = pltpu.CompilerParams(use_tc_tiling_on_sc=False)


def _sc_degree(dst3):

    @functools.partial(
        pl.kernel,
        out_type=jax.ShapeDtypeStruct((NC, NP, LANES), jnp.float32),
        mesh=_mesh(),
        compiler_params=_SC_PARAMS,
        scratch_types=[
            pltpu.VMEM((NCHUNK, K), jnp.int32),
            pltpu.VMEM((K, LANES), jnp.float32),
            pltpu.VMEM((ZR, LANES), jnp.float32),
            pltpu.VMEM_SHARED((NP, LANES), jnp.float32),
        ],
    )
    def deg_kernel(dst_hbm, out_hbm, idx_v, ones_v, zero_v, acc_sh):
        cid = lax.axis_index("c")
        sid = lax.axis_index("s")

        one = jnp.full((LANES,), 1.0, jnp.float32)
        zero = jnp.zeros((LANES,), jnp.float32)

        @pl.loop(0, K)
        def _(i):
            ones_v[i, :] = one

        @pl.loop(0, ZR)
        def _(i):
            zero_v[i, :] = zero

        base = sid * RPS
        for t in range(RPS // ZR):
            pltpu.sync_copy(zero_v, acc_sh.at[pl.ds(base + t * ZR, ZR)])
        pltpu.sync_copy(dst_hbm.at[sid], idx_v)
        plsc.subcore_barrier()

        lo = cid * HC

        @pl.loop(lo, lo + HC)
        def _(j):
            pltpu.sync_copy(ones_v, acc_sh.at[idx_v.at[j]], add=True)

        plsc.subcore_barrier()
        pltpu.sync_copy(acc_sh.at[pl.ds(base, RPS)],
                        out_hbm.at[cid, pl.ds(base, RPS)])

    return deg_kernel(dst3)


def _sc_aggregate(hs_split, src3, dst3, d2):

    @functools.partial(
        pl.kernel,
        out_type=jax.ShapeDtypeStruct((NC, NP, d2), jnp.float32),
        mesh=_mesh(),
        compiler_params=_SC_PARAMS,
        scratch_types=[
            pltpu.VMEM((NCHUNK, K), jnp.int32),
            pltpu.VMEM((NCHUNK, K), jnp.int32),
            pltpu.VMEM((K, d2), jnp.float32),
            pltpu.VMEM((K, d2), jnp.float32),
            pltpu.VMEM((ZR, d2), jnp.float32),
            pltpu.VMEM_SHARED((NP, d2), jnp.float32),
            pltpu.SemaphoreType.DMA,
            pltpu.SemaphoreType.DMA,
        ],
    )
    def agg_kernel(hs_hbm, src_hbm, dst_hbm, out_hbm,
                   src_v, dst_v, rows_a, rows_b, zero_v, acc_sh,
                   sem_a, sem_b):
        cid = lax.axis_index("c")
        sid = lax.axis_index("s")

        zero = jnp.zeros((LANES,), jnp.float32)

        @pl.loop(0, ZR)
        def _(i):
            @pl.loop(0, d2, step=LANES)
            def _(c0):
                zero_v[i, pl.ds(c0, LANES)] = zero

        base = sid * RPS
        for t in range(RPS // ZR):
            pltpu.sync_copy(zero_v, acc_sh.at[pl.ds(base + t * ZR, ZR)])
        pltpu.sync_copy(src_hbm.at[sid], src_v)
        pltpu.sync_copy(dst_hbm.at[sid], dst_v)
        plsc.subcore_barrier()

        hs_c = hs_hbm.at[cid]
        pltpu.async_copy(hs_c.at[src_v.at[0]], rows_a, sem_a)
        pltpu.async_copy(hs_c.at[src_v.at[1]], rows_b, sem_b)

        @pl.loop(0, NCHUNK - 2, step=2)
        def _(j):
            pltpu.make_async_copy(hs_c.at[src_v.at[j]], rows_a, sem_a).wait()
            pltpu.sync_copy(rows_a, acc_sh.at[dst_v.at[j]], add=True)
            pltpu.async_copy(hs_c.at[src_v.at[j + 2]], rows_a, sem_a)

            pltpu.make_async_copy(hs_c.at[src_v.at[j + 1]],
                                  rows_b, sem_b).wait()
            pltpu.sync_copy(rows_b, acc_sh.at[dst_v.at[j + 1]], add=True)
            pltpu.async_copy(hs_c.at[src_v.at[j + 3]], rows_b, sem_b)

        pltpu.make_async_copy(hs_c.at[src_v.at[NCHUNK - 2]],
                              rows_a, sem_a).wait()
        pltpu.sync_copy(rows_a, acc_sh.at[dst_v.at[NCHUNK - 2]], add=True)
        pltpu.make_async_copy(hs_c.at[src_v.at[NCHUNK - 1]],
                              rows_b, sem_b).wait()
        pltpu.sync_copy(rows_b, acc_sh.at[dst_v.at[NCHUNK - 1]], add=True)

        plsc.subcore_barrier()
        pltpu.sync_copy(acc_sh.at[pl.ds(base, RPS)],
                        out_hbm.at[cid, pl.ds(base, RPS)])

    return agg_kernel(hs_split, src3, dst3)


def _dinv_of(degp_blk):
    deg = degp_blk[0] + degp_blk[1]
    return lax.rsqrt(deg[:, 0:1] + 1.0)


def _tc_matmul(x, w):
    m, k = x.shape
    n = w.shape[1]

    def body(x_ref, w_ref, o_ref):
        o_ref[...] = jnp.dot(x_ref[...], w_ref[...],
                             preferred_element_type=jnp.float32)

    return pl.pallas_call(
        body,
        grid=(m // BR,),
        in_specs=[pl.BlockSpec((BR, k), lambda i: (i, 0)),
                  pl.BlockSpec((k, n), lambda i: (0, 0))],
        out_specs=pl.BlockSpec((BR, n), lambda i: (i, 0)),
        out_shape=jax.ShapeDtypeStruct((m, n), jnp.float32),
    )(x, w)


def _tc_scale(h, degp):
    m, n = h.shape
    d2 = n // 2

    def body(h_ref, degp_ref, o_ref):
        hs = h_ref[...] * _dinv_of(degp_ref[...])
        o_ref[0] = hs[:, :d2]
        o_ref[1] = hs[:, d2:]

    return pl.pallas_call(
        body,
        grid=(m // BR,),
        in_specs=[pl.BlockSpec((BR, n), lambda i: (i, 0)),
                  pl.BlockSpec((NC, BR, LANES), lambda i: (0, i, 0))],
        out_specs=pl.BlockSpec((NC, BR, d2), lambda i: (0, i, 0)),
        out_shape=jax.ShapeDtypeStruct((NC, m, d2), jnp.float32),
    )(h, degp)


def _tc_mid(aggp, hs1s, degp, b1, w2):
    nc, m, d2 = hs1s.shape
    n = 2 * d2
    n2 = w2.shape[1]
    q2 = n2 // 2

    def body(a_ref, hs_ref, degp_ref, b_ref, w_ref, o_ref):
        dinv = _dinv_of(degp_ref[...])
        agg = jnp.concatenate([a_ref[0], a_ref[1]], axis=1)
        hs1 = jnp.concatenate([hs_ref[0], hs_ref[1]], axis=1)
        z = (agg + hs1) * dinv + b_ref[...]
        h2 = jnp.dot(jnp.maximum(z, 0.0), w_ref[...],
                     preferred_element_type=jnp.float32)
        hs2 = h2 * dinv
        o_ref[0] = hs2[:, :q2]
        o_ref[1] = hs2[:, q2:]

    return pl.pallas_call(
        body,
        grid=(m // BR,),
        in_specs=[pl.BlockSpec((NC, BR, d2), lambda i: (0, i, 0)),
                  pl.BlockSpec((NC, BR, d2), lambda i: (0, i, 0)),
                  pl.BlockSpec((NC, BR, LANES), lambda i: (0, i, 0)),
                  pl.BlockSpec((1, n), lambda i: (0, 0)),
                  pl.BlockSpec((n, n2), lambda i: (0, 0))],
        out_specs=pl.BlockSpec((NC, BR, q2), lambda i: (0, i, 0)),
        out_shape=jax.ShapeDtypeStruct((NC, m, q2), jnp.float32),
    )(aggp, hs1s, degp, b1, w2)


def _tc_fin(aggp, hs2s, degp, b2):
    nc, m, q2 = hs2s.shape
    n = 2 * q2

    def body(a_ref, hs_ref, degp_ref, b_ref, o_ref):
        dinv = _dinv_of(degp_ref[...])
        agg = jnp.concatenate([a_ref[0], a_ref[1]], axis=1)
        hs2 = jnp.concatenate([hs_ref[0], hs_ref[1]], axis=1)
        o_ref[...] = (agg + hs2) * dinv + b_ref[...]

    return pl.pallas_call(
        body,
        grid=(m // BR,),
        in_specs=[pl.BlockSpec((NC, BR, q2), lambda i: (0, i, 0)),
                  pl.BlockSpec((NC, BR, q2), lambda i: (0, i, 0)),
                  pl.BlockSpec((NC, BR, LANES), lambda i: (0, i, 0)),
                  pl.BlockSpec((1, n), lambda i: (0, 0))],
        out_specs=pl.BlockSpec((BR, n), lambda i: (i, 0)),
        out_shape=jax.ShapeDtypeStruct((m, n), jnp.float32),
    )(aggp, hs2s, degp, b2)


def kernel(x, edge_index, W1, b1, W2, b2):
    ei = edge_index.astype(jnp.int32)
    ei = jnp.pad(ei, ((0, 0), (0, EP - E)), constant_values=N)
    src = ei[0].reshape(NS, NCHUNK, K)
    dst = ei[1].reshape(NS, NCHUNK, K)
    xp = jnp.pad(x, ((0, NP - N), (0, 0)))

    degp = _sc_degree(dst)
    h1 = _tc_matmul(xp, W1)
    hs1s = _tc_scale(h1, degp)
    agg1 = _sc_aggregate(hs1s, src, dst, D_HID // 2)
    hs2s = _tc_mid(agg1, hs1s, degp, b1.reshape(1, D_HID), W2)
    agg2 = _sc_aggregate(hs2s, src, dst, D_OUT // 2)
    return _tc_fin(agg2, hs2s, degp, b2.reshape(1, D_OUT))[:N]

# --- scband reference (transcript-rebuilt; emitter-appended) ---
"""Pipeline reference for scband-gnnmodule-33165737459916 (READ-ONLY COPY).

The authoritative reference and input builder live on the scoring server;
editing this copy changes nothing except your own understanding.
"""

import jax, jax.numpy as jnp
import numpy as np

NUM_NODES = 10000
NUM_EDGES = 320000
D_IN = 128
D_HID = 128
D_OUT = 64


def setup_inputs(seed: int = 0) -> dict:
    key = jax.random.key(seed)
    k1, k2, k3, k4, k5, k6 = jax.random.split(key, 6)
    x = jax.random.normal(k1, (NUM_NODES, D_IN), dtype=jnp.float32)
    edge_index = jax.random.randint(k2, (2, NUM_EDGES), 0, NUM_NODES, dtype=jnp.int64)
    # GCNConv layer 1: in=128, out=128 (glorot-style init)
    W1 = jax.random.normal(k3, (D_IN, D_HID), dtype=jnp.float32) * (1.0 / np.sqrt(D_IN))
    b1 = jnp.zeros((D_HID,), dtype=jnp.float32)
    # GCNConv layer 2: in=128, out=64
    W2 = jax.random.normal(k4, (D_HID, D_OUT), dtype=jnp.float32) * (1.0 / np.sqrt(D_HID))
    b2 = jnp.zeros((D_OUT,), dtype=jnp.float32)
    return {"x": x, "edge_index": edge_index, "W1": W1, "b1": b1, "W2": W2, "b2": b2}


def _gcn_conv(x, src, dst, W, b, num_nodes):
    # Faithful PyG GCNConv: add self-loops, symmetric D^{-1/2} (A+I) D^{-1/2} X W + b
    loop = jnp.arange(num_nodes, dtype=src.dtype)
    src_sl = jnp.concatenate([src, loop])
    dst_sl = jnp.concatenate([dst, loop])
    deg = jnp.zeros((num_nodes,), dtype=x.dtype).at[dst_sl].add(1.0)
    deg_inv_sqrt = jnp.where(deg > 0, deg ** -0.5, 0.0)
    norm = deg_inv_sqrt[src_sl] * deg_inv_sqrt[dst_sl]
    h = x @ W
    msg = h[src_sl] * norm[:, None]
    out = jnp.zeros((num_nodes, h.shape[1]), dtype=h.dtype).at[dst_sl].add(msg)
    return out + b


def reference(x, edge_index, W1, b1, W2, b2):
    src = edge_index[0]
    dst = edge_index[1]
    h = _gcn_conv(x, src, dst, W1, b1, NUM_NODES)
    h = jax.nn.relu(h)
    out = _gcn_conv(h, src, dst, W2, b2, NUM_NODES)
    return out

if __name__ == "__main__":
    import jax
    _d = setup_inputs()
    print(jax.jit(kernel)(*tuple(_d.values())))

</pallas_src>

<mosaic_0001>
#map = affine_map<(d0, d1) -> (0, 0, 0)>
module attributes {stable_mosaic.version = 14 : i64} {
  func.func @agg_kernel(%arg0: i32, %arg1: i32, %arg2: memref<2x10240x64xf32, #tpu.memory_space<hbm>>, %arg3: memref<16x158x128xi32, #tpu.memory_space<hbm>>, %arg4: memref<16x158x128xi32, #tpu.memory_space<hbm>>, %arg5: memref<2x10240x64xf32, #tpu.memory_space<hbm>>, %arg6: memref<158x128xi32, #tpu.memory_space<vmem>>, %arg7: memref<158x128xi32, #tpu.memory_space<vmem>>, %arg8: memref<128x64xf32, #tpu.memory_space<vmem>>, %arg9: memref<128x64xf32, #tpu.memory_space<vmem>>, %arg10: memref<128x64xf32, #tpu.memory_space<vmem>>, %arg11: memref<10240x64xf32, #tpu.memory_space<vmem_shared>>, %arg12: memref<!tpu.dma_semaphore, #tpu.memory_space<semaphore_mem>>, %arg13: memref<!tpu.dma_semaphore, #tpu.memory_space<semaphore_mem>>) attributes {dimension_semantics = [#tpu.dimension_semantics<core_parallel>, #tpu.dimension_semantics<subcore_parallel>], iteration_bounds = array<i64: 2, 16>, scalar_prefetch = 0 : i64, scratch_operands = 8 : i64, tpu.core_type = #tpu.core_type<sc_vector_subcore>, window_params = [{transform_indices = #map}, {transform_indices = #map}, {transform_indices = #map}, {transform_indices = #map}]} {
    %broadcast_in_dim3A = arith.constant 0.000000e+00 : f32
    %broadcast_in_dim3A_0 = vector.broadcast %broadcast_in_dim3A : f32 to vector<16xf32>
    %scan3A = arith.constant 0 : i32
    %scan3A_1 = arith.constant 128 : i32
    %scan3A_2 = arith.addi %scan3A, %scan3A_1 : i32
    %scan3A_3 = arith.constant 1 : i32
    scf.for %scan3A_64 = %scan3A to %scan3A_2 step %scan3A_3  : i32 {
      %mul3A_65 = arith.constant 1 : i32
      %mul3A_66 = arith.muli %scan3A_64, %mul3A_65 : i32
      %add3A_67 = arith.constant 0 : i32
      %add3A_68 = arith.addi %add3A_67, %mul3A_66 : i32
      %scan3A_69 = arith.constant 0 : i32
      %scan3A_70 = arith.constant 4 : i32
      %scan3A_71 = arith.addi %scan3A_69, %scan3A_70 : i32
      %scan3A_72 = arith.constant 1 : i32
      scf.for %scan3A_74 = %scan3A_69 to %scan3A_71 step %scan3A_72  : i32 {
        %mul3A_75 = arith.constant 16 : i32
        %mul3A_76 = arith.muli %scan3A_74, %mul3A_75 : i32
        %add3A_77 = arith.constant 0 : i32
        %add3A_78 = arith.addi %add3A_77, %mul3A_76 : i32
        %swap3A = arith.index_cast %add3A_68 : i32 to index
        %swap3A_79 = arith.index_cast %add3A_78 : i32 to index
        %swap3A_80 = tpu.vector_load %arg10[%swap3A, %swap3A_79] {strides = array<i32>} : memref<128x64xf32, #tpu.memory_space<vmem>>, vector<1x16xf32>,
        %swap3A_81 = vector.shape_cast %swap3A_80 : vector<1x16xf32> to vector<16xf32>
        %swap3A_82 = vector.shape_cast %broadcast_in_dim3A_0 : vector<16xf32> to vector<1x16xf32>
        tpu.vector_store %arg10[%swap3A, %swap3A_79], %swap3A_82 {strides = array<i32>} : memref<128x64xf32, #tpu.memory_space<vmem>>, vector<1x16xf32>,
      }
      %scan3A_73 = arith.constant 4 : i32
    }
    %scan3A_4 = arith.constant 128 : i32
    %mul3A = arith.constant 640 : i32
    %mul3A_5 = arith.muli %arg1, %mul3A : i32
    %add3A = arith.constant 0 : i32
    %add3A_6 = arith.addi %mul3A_5, %add3A : i32
    "tpu.region"() ({
      %run_scoped3A_64 = tpu.sem_alloc : memref<!tpu.dma_semaphore, #tpu.memory_space<semaphore_mem>>
      %dma_start3A_65 = arith.constant 0 : i32
      %dma_start3A_66 = tpu.memref_slice %arg11[%add3A_6, %dma_start3A_65] : memref<10240x64xf32, #tpu.memory_space<vmem_shared>> -> memref<128x64xf32, #tpu.memory_space<vmem_shared>>
      %dma_start3A_67 = arith.constant 0 : i32
      %dma_start3A_68 = tpu.memref_slice %arg11[%add3A_6, %dma_start3A_67] : memref<10240x64xf32, #tpu.memory_space<vmem_shared>> -> memref<128x64xf32, #tpu.memory_space<vmem_shared>>
      tpu.enqueue_dma source(%arg10 : memref<128x64xf32, #tpu.memory_space<vmem>>) target(%dma_start3A_68 : memref<128x64xf32, #tpu.memory_space<vmem_shared>>) target_semaphore(%run_scoped3A_64 : memref<!tpu.dma_semaphore, #tpu.memory_space<semaphore_mem>>)
      %dma_wait3A_69 = arith.constant 0 : i32
      %dma_wait3A_70 = tpu.memref_slice %arg11[%add3A_6, %dma_wait3A_69] : memref<10240x64xf32, #tpu.memory_space<vmem_shared>> -> memref<128x64xf32, #tpu.memory_space<vmem_shared>>
      %dma_wait3A_71 = arith.constant 0 : i32
      %dma_wait3A_72 = tpu.memref_slice %arg11[%add3A_6, %dma_wait3A_71] : memref<10240x64xf32, #tpu.memory_space<vmem_shared>> -> memref<128x64xf32, #tpu.memory_space<vmem_shared>>
      tpu.wait_dma2 semaphore(%run_scoped3A_64 : memref<!tpu.dma_semaphore, #tpu.memory_space<semaphore_mem>>) src(%arg10 : memref<128x64xf32, #tpu.memory_space<vmem>>) dst(%dma_wait3A_72 : memref<128x64xf32, #tpu.memory_space<vmem_shared>>)
      tpu.yield
    }) : () -> ()
    %add3A_7 = arith.constant 128 : i32
    %add3A_8 = arith.addi %mul3A_5, %add3A_7 : i32
    "tpu.region"() ({
      %run_scoped3A_64 = tpu.sem_alloc : memref<!tpu.dma_semaphore, #tpu.memory_space<semaphore_mem>>
      %dma_start3A_65 = arith.constant 0 : i32
      %dma_start3A_66 = tpu.memref_slice %arg11[%add3A_8, %dma_start3A_65] : memref<10240x64xf32, #tpu.memory_space<vmem_shared>> -> memref<128x64xf32, #tpu.memory_space<vmem_shared>>
      %dma_start3A_67 = arith.constant 0 : i32
      %dma_start3A_68 = tpu.memref_slice %arg11[%add3A_8, %dma_start3A_67] : memref<10240x64xf32, #tpu.memory_space<vmem_shared>> -> memref<128x64xf32, #tpu.memory_space<vmem_shared>>
      tpu.enqueue_dma source(%arg10 : memref<128x64xf32, #tpu.memory_space<vmem>>) target(%dma_start3A_68 : memref<128x64xf32, #tpu.memory_space<vmem_shared>>) target_semaphore(%run_scoped3A_64 : memref<!tpu.dma_semaphore, #tpu.memory_space<semaphore_mem>>)
      %dma_wait3A_69 = arith.constant 0 : i32
      %dma_wait3A_70 = tpu.memref_slice %arg11[%add3A_8, %dma_wait3A_69] : memref<10240x64xf32, #tpu.memory_space<vmem_shared>> -> memref<128x64xf32, #tpu.memory_space<vmem_shared>>
      %dma_wait3A_71 = arith.constant 0 : i32
      %dma_wait3A_72 = tpu.memref_slice %arg11[%add3A_8, %dma_wait3A_71] : memref<10240x64xf32, #tpu.memory_space<vmem_shared>> -> memref<128x64xf32, #tpu.memory_space<vmem_shared>>
      tpu.wait_dma2 semaphore(%run_scoped3A_64 : memref<!tpu.dma_semaphore, #tpu.memory_space<semaphore_mem>>) src(%arg10 : memref<128x64xf32, #tpu.memory_space<vmem>>) dst(%dma_wait3A_72 : memref<128x64xf32, #tpu.memory_space<vmem_shared>>)
      tpu.yield
    }) : () -> ()
    %add3A_9 = arith.constant 256 : i32
    %add3A_10 = arith.addi %mul3A_5, %add3A_9 : i32
    "tpu.region"() ({
      %run_scoped3A_64 = tpu.sem_alloc : memref<!tpu.dma_semaphore, #tpu.memory_space<semaphore_mem>>
      %dma_start3A_65 = arith.constant 0 : i32
      %dma_start3A_66 = tpu.memref_slice %arg11[%add3A_10, %dma_start3A_65] : memref<10240x64xf32, #tpu.memory_space<vmem_shared>> -> memref<128x64xf32, #tpu.memory_space<vmem_shared>>
      %dma_start3A_67 = arith.constant 0 : i32
      %dma_start3A_68 = tpu.memref_slice %arg11[%add3A_10, %dma_start3A_67] : memref<10240x64xf32, #tpu.memory_space<vmem_shared>> -> memref<128x64xf32, #tpu.memory_space<vmem_shared>>
      tpu.enqueue_dma source(%arg10 : memref<128x64xf32, #tpu.memory_space<vmem>>) target(%dma_start3A_68 : memref<128x64xf32, #tpu.memory_space<vmem_shared>>) target_semaphore(%run_scoped3A_64 : memref<!tpu.dma_semaphore, #tpu.memory_space<semaphore_mem>>)
      %dma_wait3A_69 = arith.constant 0 : i32
      %dma_wait3A_70 = tpu.memref_slice %arg11[%add3A_10, %dma_wait3A_69] : memref<10240x64xf32, #tpu.memory_space<vmem_shared>> -> memref<128x64xf32, #tpu.memory_space<vmem_shared>>
      %dma_wait3A_71 = arith.constant 0 : i32
      %dma_wait3A_72 = tpu.memref_slice %arg11[%add3A_10, %dma_wait3A_71] : memref<10240x64xf32, #tpu.memory_space<vmem_shared>> -> memref<128x64xf32, #tpu.memory_space<vmem_shared>>
      tpu.wait_dma2 semaphore(%run_scoped3A_64 : memref<!tpu.dma_semaphore, #tpu.memory_space<semaphore_mem>>) src(%arg10 : memref<128x64xf32, #tpu.memory_space<vmem>>) dst(%dma_wait3A_72 : memref<128x64xf32, #tpu.memory_space<vmem_shared>>)
      tpu.yield
    }) : () -> ()
    %add3A_11 = arith.constant 384 : i32
    %add3A_12 = arith.addi %mul3A_5, %add3A_11 : i32
    "tpu.region"() ({
      %run_scoped3A_64 = tpu.sem_alloc : memref<!tpu.dma_semaphore, #tpu.memory_space<semaphore_mem>>
      %dma_start3A_65 = arith.constant 0 : i32
      %dma_start3A_66 = tpu.memref_slice %arg11[%add3A_12, %dma_start3A_65] : memref<10240x64xf32, #tpu.memory_space<vmem_shared>> -> memref<128x64xf32, #tpu.memory_space<vmem_shared>>
      %dma_start3A_67 = arith.constant 0 : i32
      %dma_start3A_68 = tpu.memref_slice %arg11[%add3A_12, %dma_start3A_67] : memref<10240x64xf32, #tpu.memory_space<vmem_shared>> -> memref<128x64xf32, #tpu.memory_space<vmem_shared>>
      tpu.enqueue_dma source(%arg10 : memref<128x64xf32, #tpu.memory_space<vmem>>) target(%dma_start3A_68 : memref<128x64xf32, #tpu.memory_space<vmem_shared>>) target_semaphore(%run_scoped3A_64 : memref<!tpu.dma_semaphore, #tpu.memory_space<semaphore_mem>>)
      %dma_wait3A_69 = arith.constant 0 : i32
      %dma_wait3A_70 = tpu.memref_slice %arg11[%add3A_12, %dma_wait3A_69] : memref<10240x64xf32, #tpu.memory_space<vmem_shared>> -> memref<128x64xf32, #tpu.memory_space<vmem_shared>>
      %dma_wait3A_71 = arith.constant 0 : i32
      %dma_wait3A_72 = tpu.memref_slice %arg11[%add3A_12, %dma_wait3A_71] : memref<10240x64xf32, #tpu.memory_space<vmem_shared>> -> memref<128x64xf32, #tpu.memory_space<vmem_shared>>
      tpu.wait_dma2 semaphore(%run_scoped3A_64 : memref<!tpu.dma_semaphore, #tpu.memory_space<semaphore_mem>>) src(%arg10 : memref<128x64xf32, #tpu.memory_space<vmem>>) dst(%dma_wait3A_72 : memref<128x64xf32, #tpu.memory_space<vmem_shared>>)
      tpu.yield
    }) : () -> ()
    %add3A_13 = arith.constant 512 : i32
    %add3A_14 = arith.addi %mul3A_5, %add3A_13 : i32
    "tpu.region"() ({
      %run_scoped3A_64 = tpu.sem_alloc : memref<!tpu.dma_semaphore, #tpu.memory_space<semaphore_mem>>
      %dma_start3A_65 = arith.constant 0 : i32
      %dma_start3A_66 = tpu.memref_slice %arg11[%add3A_14, %dma_start3A_65] : memref<10240x64xf32, #tpu.memory_space<vmem_shared>> -> memref<128x64xf32, #tpu.memory_space<vmem_shared>>
      %dma_start3A_67 = arith.constant 0 : i32
      %dma_start3A_68 = tpu.memref_slice %arg11[%add3A_14, %dma_start3A_67] : memref<10240x64xf32, #tpu.memory_space<vmem_shared>> -> memref<128x64xf32, #tpu.memory_space<vmem_shared>>
      tpu.enqueue_dma source(%arg10 : memref<128x64xf32, #tpu.memory_space<vmem>>) target(%dma_start3A_68 : memref<128x64xf32, #tpu.memory_space<vmem_shared>>) target_semaphore(%run_scoped3A_64 : memref<!tpu.dma_semaphore, #tpu.memory_space<semaphore_mem>>)
      %dma_wait3A_69 = arith.constant 0 : i32
      %dma_wait3A_70 = tpu.memref_slice %arg11[%add3A_14, %dma_wait3A_69] : memref<10240x64xf32, #tpu.memory_space<vmem_shared>> -> memref<128x64xf32, #tpu.memory_space<vmem_shared>>
      %dma_wait3A_71 = arith.constant 0 : i32
      %dma_wait3A_72 = tpu.memref_slice %arg11[%add3A_14, %dma_wait3A_71] : memref<10240x64xf32, #tpu.memory_space<vmem_shared>> -> memref<128x64xf32, #tpu.memory_space<vmem_shared>>
      tpu.wait_dma2 semaphore(%run_scoped3A_64 : memref<!tpu.dma_semaphore, #tpu.memory_space<semaphore_mem>>) src(%arg10 : memref<128x64xf32, #tpu.memory_space<vmem>>) dst(%dma_wait3A_72 : memref<128x64xf32, #tpu.memory_space<vmem_shared>>)
      tpu.yield
    }) : () -> ()
    "tpu.region"() ({
      %run_scoped3A_64 = tpu.sem_alloc : memref<!tpu.dma_semaphore, #tpu.memory_space<semaphore_mem>>
      %dma_start3A_65 = arith.constant 0 : i32
      %dma_start3A_66 = arith.constant 0 : i32
      %dma_start3A_67 = tpu.memref_slice %arg3[%arg1, %dma_start3A_65, %dma_start3A_66] : memref<16x158x128xi32, #tpu.memory_space<hbm>> -> memref<1x158x128xi32, #tpu.memory_space<hbm>>
      %dma_start3A_68 = tpu.memref_squeeze %dma_start3A_67 : memref<1x158x128xi32, #tpu.memory_space<hbm>> -> memref<158x128xi32, #tpu.memory_space<hbm>>
      %dma_start3A_69 = arith.constant 0 : i32
      %dma_start3A_70 = arith.constant 0 : i32
      %dma_start3A_71 = tpu.memref_slice %arg3[%arg1, %dma_start3A_69, %dma_start3A_70] : memref<16x158x128xi32, #tpu.memory_space<hbm>> -> memref<1x158x128xi32, #tpu.memory_space<hbm>>
      %dma_start3A_72 = tpu.memref_squeeze %dma_start3A_71 : memref<1x158x128xi32, #tpu.memory_space<hbm>> -> memref<158x128xi32, #tpu.memory_space<hbm>>
      tpu.enqueue_dma source(%dma_start3A_72 : memref<158x128xi32, #tpu.memory_space<hbm>>) target(%arg6 : memref<158x128xi32, #tpu.memory_space<vmem>>) target_semaphore(%run_scoped3A_64 : memref<!tpu.dma_semaphore, #tpu.memory_space<semaphore_mem>>)
      %dma_wait3A_73 = arith.constant 0 : i32
      %dma_wait3A_74 = arith.constant 0 : i32
      %dma_wait3A_75 = tpu.memref_slice %arg3[%arg1, %dma_wait3A_73, %dma_wait3A_74] : memref<16x158x128xi32, #tpu.memory_space<hbm>> -> memref<1x158x128xi32, #tpu.memory_space<hbm>>
      %dma_wait3A_76 = tpu.memref_squeeze %dma_wait3A_75 : memref<1x158x128xi32, #tpu.memory_space<hbm>> -> memref<158x128xi32, #tpu.memory_space<hbm>>
      %dma_wait3A_77 = arith.constant 0 : i32
      %dma_wait3A_78 = arith.constant 0 : i32
      %dma_wait3A_79 = tpu.memref_slice %arg3[%arg1, %dma_wait3A_77, %dma_wait3A_78] : memref<16x158x128xi32, #tpu.memory_space<hbm>> -> memref<1x158x128xi32, #tpu.memory_space<hbm>>
      %dma_wait3A_80 = tpu.memref_squeeze %dma_wait3A_79 : memref<1x158x128xi32, #tpu.memory_space<hbm>> -> memref<158x128xi32, #tpu.memory_space<hbm>>
      tpu.wait_dma2 semaphore(%run_scoped3A_64 : memref<!tpu.dma_semaphore, #tpu.memory_space<semaphore_mem>>) src(%dma_wait3A_80 : memref<158x128xi32, #tpu.memory_space<hbm>>) dst(%arg6 : memref<158x128xi32, #tpu.memory_space<vmem>>)
      tpu.yield
    }) : () -> ()
    "tpu.region"() ({
      %run_scoped3A_64 = tpu.sem_alloc : memref<!tpu.dma_semaphore, #tpu.memory_space<semaphore_mem>>
      %dma_start3A_65 = arith.constant 0 : i32
      %dma_start3A_66 = arith.constant 0 : i32
      %dma_start3A_67 = tpu.memref_slice %arg4[%arg1, %dma_start3A_65, %dma_start3A_66] : memref<16x158x128xi32, #tpu.memory_space<hbm>> -> memref<1x158x128xi32, #tpu.memory_space<hbm>>
      %dma_start3A_68 = tpu.memref_squeeze %dma_start3A_67 : memref<1x158x128xi32, #tpu.memory_space<hbm>> -> memref<158x128xi32, #tpu.memory_space<hbm>>
      %dma_start3A_69 = arith.constant 0 : i32
      %dma_start3A_70 = arith.constant 0 : i32
      %dma_start3A_71 = tpu.memref_slice %arg4[%arg1, %dma_start3A_69, %dma_start3A_70] : memref<16x158x128xi32, #tpu.memory_space<hbm>> -> memref<1x158x128xi32, #tpu.memory_space<hbm>>
      %dma_start3A_72 = tpu.memref_squeeze %dma_start3A_71 : memref<1x158x128xi32, #tpu.memory_space<hbm>> -> memref<158x128xi32, #tpu.memory_space<hbm>>
      tpu.enqueue_dma source(%dma_start3A_72 : memref<158x128xi32, #tpu.memory_space<hbm>>) target(%arg7 : memref<158x128xi32, #tpu.memory_space<vmem>>) target_semaphore(%run_scoped3A_64 : memref<!tpu.dma_semaphore, #tpu.memory_space<semaphore_mem>>)
      %dma_wait3A_73 = arith.constant 0 : i32
      %dma_wait3A_74 = arith.constant 0 : i32
      %dma_wait3A_75 = tpu.memref_slice %arg4[%arg1, %dma_wait3A_73, %dma_wait3A_74] : memref<16x158x128xi32, #tpu.memory_space<hbm>> -> memref<1x158x128xi32, #tpu.memory_space<hbm>>
      %dma_wait3A_76 = tpu.memref_squeeze %dma_wait3A_75 : memref<1x158x128xi32, #tpu.memory_space<hbm>> -> memref<158x128xi32, #tpu.memory_space<hbm>>
      %dma_wait3A_77 = arith.constant 0 : i32
      %dma_wait3A_78 = arith.constant 0 : i32
      %dma_wait3A_79 = tpu.memref_slice %arg4[%arg1, %dma_wait3A_77, %dma_wait3A_78] : memref<16x158x128xi32, #tpu.memory_space<hbm>> -> memref<1x158x128xi32, #tpu.memory_space<hbm>>
      %dma_wait3A_80 = tpu.memref_squeeze %dma_wait3A_79 : memref<1x158x128xi32, #tpu.memory_space<hbm>> -> memref<158x128xi32, #tpu.memory_space<hbm>>
      tpu.wait_dma2 semaphore(%run_scoped3A_64 : memref<!tpu.dma_semaphore, #tpu.memory_space<semaphore_mem>>) src(%dma_wait3A_80 : memref<158x128xi32, #tpu.memory_space<hbm>>) dst(%arg7 : memref<158x128xi32, #tpu.memory_space<vmem>>)
      tpu.yield
    }) : () -> ()
    %barrier3A = arith.constant 0 : index
    tpu.barrier barrier_id(%barrier3A)
    %dma_start3A = arith.constant 0 : i32
    %dma_start3A_15 = arith.constant 0 : i32
    %dma_start3A_16 = tpu.memref_slice %arg6[%dma_start3A, %dma_start3A_15] : memref<158x128xi32, #tpu.memory_space<vmem>> -> memref<1x128xi32, #tpu.memory_space<vmem>>
    %dma_start3A_17 = tpu.memref_squeeze %dma_start3A_16 : memref<1x128xi32, #tpu.memory_space<vmem>> -> memref<128xi32, #tpu.memory_space<vmem>>
    %dma_start3A_18 = arith.constant 0 : i32
    %dma_start3A_19 = arith.constant 0 : i32
    %dma_start3A_20 = tpu.memref_slice %arg2[%arg0, %dma_start3A_18, %dma_start3A_19] : memref<2x10240x64xf32, #tpu.memory_space<hbm>> -> memref<1x10240x64xf32, #tpu.memory_space<hbm>>
    %dma_start3A_21 = tpu.memref_squeeze %dma_start3A_20 : memref<1x10240x64xf32, #tpu.memory_space<hbm>> -> memref<10240x64xf32, #tpu.memory_space<hbm>>
    %dma_start3A_22 = arith.constant 0 : i32
    %dma_start3A_23 = arith.constant 0 : i32
    %dma_start3A_24 = tpu.memref_slice %dma_start3A_21[%dma_start3A_22, %dma_start3A_23] : memref<10240x64xf32, #tpu.memory_space<hbm>> -> memref<10240x64xf32, #tpu.memory_space<hbm>>
    tpu.enqueue_indirect_dma source(%dma_start3A_24 : memref<10240x64xf32, #tpu.memory_space<hbm>>) target(%arg8 : memref<128x64xf32, #tpu.memory_space<vmem>>) offsets(%dma_start3A_17 : memref<128xi32, #tpu.memory_space<vmem>>) semaphore(%arg12 : memref<!tpu.dma_semaphore, #tpu.memory_space<semaphore_mem>>)
    %dma_start3A_25 = arith.constant 1 : i32
    %dma_start3A_26 = arith.constant 0 : i32
    %dma_start3A_27 = tpu.memref_slice %arg6[%dma_start3A_25, %dma_start3A_26] : memref<158x128xi32, #tpu.memory_space<vmem>> -> memref<1x128xi32, #tpu.memory_space<vmem>>
    %dma_start3A_28 = tpu.memref_squeeze %dma_start3A_27 : memref<1x128xi32, #tpu.memory_space<vmem>> -> memref<128xi32, #tpu.memory_space<vmem>>
    %dma_start3A_29 = arith.constant 0 : i32
    %dma_start3A_30 = arith.constant 0 : i32
    %dma_start3A_31 = tpu.memref_slice %arg2[%arg0, %dma_start3A_29, %dma_start3A_30] : memref<2x10240x64xf32, #tpu.memory_space<hbm>> -> memref<1x10240x64xf32, #tpu.memory_space<hbm>>
    %dma_start3A_32 = tpu.memref_squeeze %dma_start3A_31 : memref<1x10240x64xf32, #tpu.memory_space<hbm>> -> memref<10240x64xf32, #tpu.memory_space<hbm>>
    %dma_start3A_33 = arith.constant 0 : i32
    %dma_start3A_34 = arith.constant 0 : i32
    %dma_start3A_35 = tpu.memref_slice %dma_start3A_32[%dma_start3A_33, %dma_start3A_34] : memref<10240x64xf32, #tpu.memory_space<hbm>> -> memref<10240x64xf32, #tpu.memory_space<hbm>>
    tpu.enqueue_indirect_dma source(%dma_start3A_35 : memref<10240x64xf32, #tpu.memory_space<hbm>>) target(%arg9 : memref<128x64xf32, #tpu.memory_space<vmem>>) offsets(%dma_start3A_28 : memref<128xi32, #tpu.memory_space<vmem>>) semaphore(%arg13 : memref<!tpu.dma_semaphore, #tpu.memory_space<semaphore_mem>>)
    %scan3A_36 = arith.constant 0 : i32
    %scan3A_37 = arith.constant 78 : i32
    %scan3A_38 = arith.addi %scan3A_36, %scan3A_37 : i32
    %scan3A_39 = arith.constant 1 : i32
    scf.for %scan3A_64 = %scan3A_36 to %scan3A_38 step %scan3A_39  : i32 {
      %mul3A_65 = arith.constant 2 : i32
      %mul3A_66 = arith.muli %scan3A_64, %mul3A_65 : i32
      %add3A_67 = arith.constant 0 : i32
      %add3A_68 = arith.addi %add3A_67, %mul3A_66 : i32
      %dma_wait3A_69 = arith.constant 0 : i32
      %dma_wait3A_70 = tpu.memref_slice %arg6[%add3A_68, %dma_wait3A_69] : memref<158x128xi32, #tpu.memory_space<vmem>> -> memref<1x128xi32, #tpu.memory_space<vmem>>
      %dma_wait3A_71 = tpu.memref_squeeze %dma_wait3A_70 : memref<1x128xi32, #tpu.memory_space<vmem>> -> memref<128xi32, #tpu.memory_space<vmem>>
      %dma_wait3A_72 = arith.constant 0 : i32
      %dma_wait3A_73 = arith.constant 0 : i32
      %dma_wait3A_74 = tpu.memref_slice %arg2[%arg0, %dma_wait3A_72, %dma_wait3A_73] : memref<2x10240x64xf32, #tpu.memory_space<hbm>> -> memref<1x10240x64xf32, #tpu.memory_space<hbm>>
      %dma_wait3A_75 = tpu.memref_squeeze %dma_wait3A_74 : memref<1x10240x64xf32, #tpu.memory_space<hbm>> -> memref<10240x64xf32, #tpu.memory_space<hbm>>
      %dma_wait3A_76 = arith.constant 0 : i32
      %dma_wait3A_77 = arith.constant 0 : i32
      %dma_wait3A_78 = tpu.memref_slice %dma_wait3A_75[%dma_wait3A_76, %dma_wait3A_77] : memref<10240x64xf32, #tpu.memory_space<hbm>> -> memref<10240x64xf32, #tpu.memory_space<hbm>>
      tpu.wait_indirect_dma semaphore(%arg12 : memref<!tpu.dma_semaphore, #tpu.memory_space<semaphore_mem>>) src(%dma_wait3A_78 : memref<10240x64xf32, #tpu.memory_space<hbm>>) dst(%arg8 : memref<128x64xf32, #tpu.memory_space<vmem>>)
      "tpu.region"() ({
        %run_scoped3A_117 = tpu.sem_alloc : memref<!tpu.dma_semaphore, #tpu.memory_space<semaphore_mem>>
        %dma_start3A_118 = arith.constant 0 : i32
        %dma_start3A_119 = tpu.memref_slice %arg7[%add3A_68, %dma_start3A_118] : memref<158x128xi32, #tpu.memory_space<vmem>> -> memref<1x128xi32, #tpu.memory_space<vmem>>
        %dma_start3A_120 = tpu.memref_squeeze %dma_start3A_119 : memref<1x128xi32, #tpu.memory_space<vmem>> -> memref<128xi32, #tpu.memory_space<vmem>>
        %dma_start3A_121 = arith.constant 0 : i32
        %dma_start3A_122 = arith.constant 0 : i32
        %dma_start3A_123 = tpu.memref_slice %arg11[%dma_start3A_121, %dma_start3A_122] : memref<10240x64xf32, #tpu.memory_space<vmem_shared>> -> memref<10240x64xf32, #tpu.memory_space<vmem_shared>>
        tpu.enqueue_indirect_dma source(%arg8 : memref<128x64xf32, #tpu.memory_space<vmem>>) target(%dma_start3A_123 : memref<10240x64xf32, #tpu.memory_space<vmem_shared>>) offsets(%dma_start3A_120 : memref<128xi32, #tpu.memory_space<vmem>>) semaphore(%run_scoped3A_117 : memref<!tpu.dma_semaphore, #tpu.memory_space<semaphore_mem>>) {add = true}
        %dma_wait3A_124 = arith.constant 0 : i32
        %dma_wait3A_125 = tpu.memref_slice %arg7[%add3A_68, %dma_wait3A_124] : memref<158x128xi32, #tpu.memory_space<vmem>> -> memref<1x128xi32, #tpu.memory_space<vmem>>
        %dma_wait3A_126 = tpu.memref_squeeze %dma_wait3A_125 : memref<1x128xi32, #tpu.memory_space<vmem>> -> memref<128xi32, #tpu.memory_space<vmem>>
        %dma_wait3A_127 = arith.constant 0 : i32
        %dma_wait3A_128 = arith.constant 0 : i32
        %dma_wait3A_129 = tpu.memref_slice %arg11[%dma_wait3A_127, %dma_wait3A_128] : memref<10240x64xf32, #tpu.memory_space<vmem_shared>> -> memref<10240x64xf32, #tpu.memory_space<vmem_shared>>
        tpu.wait_indirect_dma semaphore(%run_scoped3A_117 : memref<!tpu.dma_semaphore, #tpu.memory_space<semaphore_mem>>) src(%arg8 : memref<128x64xf32, #tpu.memory_space<vmem>>) dst(%dma_wait3A_129 : memref<10240x64xf32, #tpu.memory_space<vmem_shared>>)
        tpu.yield
      }) : () -> ()
      %add3A_79 = arith.constant 2 : i32
      %add3A_80 = arith.addi %add3A_68, %add3A_79 : i32
      %dma_start3A_81 = arith.constant 0 : i32
      %dma_start3A_82 = tpu.memref_slice %arg6[%add3A_80, %dma_start3A_81] : memref<158x128xi32, #tpu.memory_space<vmem>> -> memref<1x128xi32, #tpu.memory_space<vmem>>
      %dma_start3A_83 = tpu.memref_squeeze %dma_start3A_82 : memref<1x128xi32, #tpu.memory_space<vmem>> -> memref<128xi32, #tpu.memory_space<vmem>>
      %dma_start3A_84 = arith.constant 0 : i32
      %dma_start3A_85 = arith.constant 0 : i32
      %dma_start3A_86 = tpu.memref_slice %arg2[%arg0, %dma_start3A_84, %dma_start3A_85] : memref<2x10240x64xf32, #tpu.memory_space<hbm>> -> memref<1x10240x64xf32, #tpu.memory_space<hbm>>
      %dma_start3A_87 = tpu.memref_squeeze %dma_start3A_86 : memref<1x10240x64xf32, #tpu.memory_space<hbm>> -> memref<10240x64xf32, #tpu.memory_space<hbm>>
      %dma_start3A_88 = arith.constant 0 : i32
      %dma_start3A_89 = arith.constant 0 : i32
      %dma_start3A_90 = tpu.memref_slice %dma_start3A_87[%dma_start3A_88, %dma_start3A_89] : memref<10240x64xf32, #tpu.memory_space<hbm>> -> memref<10240x64xf32, #tpu.memory_space<hbm>>
      tpu.enqueue_indirect_dma source(%dma_start3A_90 : memref<10240x64xf32, #tpu.memory_space<hbm>>) target(%arg8 : memref<128x64xf32, #tpu.memory_space<vmem>>) offsets(%dma_start3A_83 : memref<128xi32, #tpu.memory_space<vmem>>) semaphore(%arg12 : memref<!tpu.dma_semaphore, #tpu.memory_space<semaphore_mem>>)
      %add3A_91 = arith.constant 1 : i32
      %add3A_92 = arith.addi %add3A_68, %add3A_91 : i32
      %dma_wait3A_93 = arith.constant 0 : i32
      %dma_wait3A_94 = tpu.memref_slice %arg6[%add3A_92, %dma_wait3A_93] : memref<158x128xi32, #tpu.memory_space<vmem>> -> memref<1x128xi32, #tpu.memory_space<vmem>>
      %dma_wait3A_95 = tpu.memref_squeeze %dma_wait3A_94 : memref<1x128xi32, #tpu.memory_space<vmem>> -> memref<128xi32, #tpu.memory_space<vmem>>
      %dma_wait3A_96 = arith.constant 0 : i32
      %dma_wait3A_97 = arith.constant 0 : i32
      %dma_wait3A_98 = tpu.memref_slice %arg2[%arg0, %dma_wait3A_96, %dma_wait3A_97] : memref<2x10240x64xf32, #tpu.memory_space<hbm>> -> memref<1x10240x64xf32, #tpu.memory_space<hbm>>
      %dma_wait3A_99 = tpu.memref_squeeze %dma_wait3A_98 : memref<1x10240x64xf32, #tpu.memory_space<hbm>> -> memref<10240x64xf32, #tpu.memory_space<hbm>>
      %dma_wait3A_100 = arith.constant 0 : i32
      %dma_wait3A_101 = arith.constant 0 : i32
      %dma_wait3A_102 = tpu.memref_slice %dma_wait3A_99[%dma_wait3A_100, %dma_wait3A_101] : memref<10240x64xf32, #tpu.memory_space<hbm>> -> memref<10240x64xf32, #tpu.memory_space<hbm>>
      tpu.wait_indirect_dma semaphore(%arg13 : memref<!tpu.dma_semaphore, #tpu.memory_space<semaphore_mem>>) src(%dma_wait3A_102 : memref<10240x64xf32, #tpu.memory_space<hbm>>) dst(%arg9 : memref<128x64xf32, #tpu.memory_space<vmem>>)
      %add3A_103 = arith.constant 1 : i32
      %add3A_104 = arith.addi %add3A_68, %add3A_103 : i32
      "tpu.region"() ({
        %run_scoped3A_117 = tpu.sem_alloc : memref<!tpu.dma_semaphore, #tpu.memory_space<semaphore_mem>>
        %dma_start3A_118 = arith.constant 0 : i32
        %dma_start3A_119 = tpu.memref_slice %arg7[%add3A_104, %dma_start3A_118] : memref<158x128xi32, #tpu.memory_space<vmem>> -> memref<1x128xi32, #tpu.memory_space<vmem>>
        %dma_start3A_120 = tpu.memref_squeeze %dma_start3A_119 : memref<1x128xi32, #tpu.memory_space<vmem>> -> memref<128xi32, #tpu.memory_space<vmem>>
        %dma_start3A_121 = arith.constant 0 : i32
        %dma_start3A_122 = arith.constant 0 : i32
        %dma_start3A_123 = tpu.memref_slice %arg11[%dma_start3A_121, %dma_start3A_122] : memref<10240x64xf32, #tpu.memory_space<vmem_shared>> -> memref<10240x64xf32, #tpu.memory_space<vmem_shared>>
        tpu.enqueue_indirect_dma source(%arg9 : memref<128x64xf32, #tpu.memory_space<vmem>>) target(%dma_start3A_123 : memref<10240x64xf32, #tpu.memory_space<vmem_shared>>) offsets(%dma_start3A_120 : memref<128xi32, #tpu.memory_space<vmem>>) semaphore(%run_scoped3A_117 : memref<!tpu.dma_semaphore, #tpu.memory_space<semaphore_mem>>) {add = true}
        %dma_wait3A_124 = arith.constant 0 : i32
        %dma_wait3A_125 = tpu.memref_slice %arg7[%add3A_104, %dma_wait3A_124] : memref<158x128xi32, #tpu.memory_space<vmem>> -> memref<1x128xi32, #tpu.memory_space<vmem>>
        %dma_wait3A_126 = tpu.memref_squeeze %dma_wait3A_125 : memref<1x128xi32, #tpu.memory_space<vmem>> -> memref<128xi32, #tpu.memory_space<vmem>>
        %dma_wait3A_127 = arith.constant 0 : i32
        %dma_wait3A_128 = arith.constant 0 : i32
        %dma_wait3A_129 = tpu.memref_slice %arg11[%dma_wait3A_127, %dma_wait3A_128] : memref<10240x64xf32, #tpu.memory_space<vmem_shared>> -> memref<10240x64xf32, #tpu.memory_space<vmem_shared>>
        tpu.wait_indirect_dma semaphore(%run_scoped3A_117 : memref<!tpu.dma_semaphore, #tpu.memory_space<semaphore_mem>>) src(%arg9 : memref<128x64xf32, #tpu.memory_space<vmem>>) dst(%dma_wait3A_129 : memref<10240x64xf32, #tpu.memory_space<vmem_shared>>)
        tpu.yield
      }) : () -> ()
      %add3A_105 = arith.constant 3 : i32
      %add3A_106 = arith.addi %add3A_68, %add3A_105 : i32
      %dma_start3A_107 = arith.constant 0 : i32
      %dma_start3A_108 = tpu.memref_slice %arg6[%add3A_106, %dma_start3A_107] : memref<158x128xi32, #tpu.memory_space<vmem>> -> memref<1x128xi32, #tpu.memory_space<vmem>>
      %dma_start3A_109 = tpu.memref_squeeze %dma_start3A_108 : memref<1x128xi32, #tpu.memory_space<vmem>> -> memref<128xi32, #tpu.memory_space<vmem>>
      %dma_start3A_110 = arith.constant 0 : i32
      %dma_start3A_111 = arith.constant 0 : i32
      %dma_start3A_112 = tpu.memref_slice %arg2[%arg0, %dma_start3A_110, %dma_start3A_111] : memref<2x10240x64xf32, #tpu.memory_space<hbm>> -> memref<1x10240x64xf32, #tpu.memory_space<hbm>>
      %dma_start3A_113 = tpu.memref_squeeze %dma_start3A_112 : memref<1x10240x64xf32, #tpu.memory_space<hbm>> -> memref<10240x64xf32, #tpu.memory_space<hbm>>
      %dma_start3A_114 = arith.constant 0 : i32
      %dma_start3A_115 = arith.constant 0 : i32
      %dma_start3A_116 = tpu.memref_slice %dma_start3A_113[%dma_start3A_114, %dma_start3A_115] : memref<10240x64xf32, #tpu.memory_space<hbm>> -> memref<10240x64xf32, #tpu.memory_space<hbm>>
      tpu.enqueue_indirect_dma source(%dma_start3A_116 : memref<10240x64xf32, #tpu.memory_space<hbm>>) target(%arg9 : memref<128x64xf32, #tpu.memory_space<vmem>>) offsets(%dma_start3A_109 : memref<128xi32, #tpu.memory_space<vmem>>) semaphore(%arg13 : memref<!tpu.dma_semaphore, #tpu.memory_space<semaphore_mem>>)
    }
    %scan3A_40 = arith.constant 78 : i32
    %dma_wait3A = arith.constant 156 : i32
    %dma_wait3A_41 = arith.constant 0 : i32
    %dma_wait3A_42 = tpu.memref_slice %arg6[%dma_wait3A, %dma_wait3A_41] : memref<158x128xi32, #tpu.memory_space<vmem>> -> memref<1x128xi32, #tpu.memory_space<vmem>>
    %dma_wait3A_43 = tpu.memref_squeeze %dma_wait3A_42 : memref<1x128xi32, #tpu.memory_space<vmem>> -> memref<128xi32, #tpu.memory_space<vmem>>
    %dma_wait3A_44 = arith.constant 0 : i32
    %dma_wait3A_45 = arith.constant 0 : i32
    %dma_wait3A_46 = tpu.memref_slice %arg2[%arg0, %dma_wait3A_44, %dma_wait3A_45] : memref<2x10240x64xf32, #tpu.memory_space<hbm>> -> memref<1x10240x64xf32, #tpu.memory_space<hbm>>
    %dma_wait3A_47 = tpu.memref_squeeze %dma_wait3A_46 : memref<1x10240x64xf32, #tpu.memory_space<hbm>> -> memref<10240x64xf32, #tpu.memory_space<hbm>>
    %dma_wait3A_48 = arith.constant 0 : i32
    %dma_wait3A_49 = arith.constant 0 : i32
    %dma_wait3A_50 = tpu.memref_slice %dma_wait3A_47[%dma_wait3A_48, %dma_wait3A_49] : memref<10240x64xf32, #tpu.memory_space<hbm>> -> memref<10240x64xf32, #tpu.memory_space<hbm>>
    tpu.wait_indirect_dma semaphore(%arg12 : memref<!tpu.dma_semaphore, #tpu.memory_space<semaphore_mem>>) src(%dma_wait3A_50 : memref<10240x64xf32, #tpu.memory_space<hbm>>) dst(%arg8 : memref<128x64xf32, #tpu.memory_space<vmem>>)
    %run_scoped3A = arith.constant 156 : i32
    "tpu.region"() ({
      %run_scoped3A_64 = tpu.sem_alloc : memref<!tpu.dma_semaphore, #tpu.memory_space<semaphore_mem>>
      %dma_start3A_65 = arith.constant 0 : i32
      %dma_start3A_66 = tpu.memref_slice %arg7[%run_scoped3A, %dma_start3A_65] : memref<158x128xi32, #tpu.memory_space<vmem>> -> memref<1x128xi32, #tpu.memory_space<vmem>>
      %dma_start3A_67 = tpu.memref_squeeze %dma_start3A_66 : memref<1x128xi32, #tpu.memory_space<vmem>> -> memref<128xi32, #tpu.memory_space<vmem>>
      %dma_start3A_68 = arith.constant 0 : i32
      %dma_start3A_69 = arith.constant 0 : i32
      %dma_start3A_70 = tpu.memref_slice %arg11[%dma_start3A_68, %dma_start3A_69] : memref<10240x64xf32, #tpu.memory_space<vmem_shared>> -> memref<10240x64xf32, #tpu.memory_space<vmem_shared>>
      tpu.enqueue_indirect_dma source(%arg8 : memref<128x64xf32, #tpu.memory_space<vmem>>) target(%dma_start3A_70 : memref<10240x64xf32, #tpu.memory_space<vmem_shared>>) offsets(%dma_start3A_67 : memref<128xi32, #tpu.memory_space<vmem>>) semaphore(%run_scoped3A_64 : memref<!tpu.dma_semaphore, #tpu.memory_space<semaphore_mem>>) {add = true}
      %dma_wait3A_71 = arith.constant 0 : i32
      %dma_wait3A_72 = tpu.memref_slice %arg7[%run_scoped3A, %dma_wait3A_71] : memref<158x128xi32, #tpu.memory_space<vmem>> -> memref<1x128xi32, #tpu.memory_space<vmem>>
      %dma_wait3A_73 = tpu.memref_squeeze %dma_wait3A_72 : memref<1x128xi32, #tpu.memory_space<vmem>> -> memref<128xi32, #tpu.memory_space<vmem>>
      %dma_wait3A_74 = arith.constant 0 : i32
      %dma_wait3A_75 = arith.constant 0 : i32
      %dma_wait3A_76 = tpu.memref_slice %arg11[%dma_wait3A_74, %dma_wait3A_75] : memref<10240x64xf32, #tpu.memory_space<vmem_shared>> -> memref<10240x64xf32, #tpu.memory_space<vmem_shared>>
      tpu.wait_indirect_dma semaphore(%run_scoped3A_64 : memref<!tpu.dma_semaphore, #tpu.memory_space<semaphore_mem>>) src(%arg8 : memref<128x64xf32, #tpu.memory_space<vmem>>) dst(%dma_wait3A_76 : memref<10240x64xf32, #tpu.memory_space<vmem_shared>>)
      tpu.yield
    }) : () -> ()
    %dma_wait3A_51 = arith.constant 157 : i32
    %dma_wait3A_52 = arith.constant 0 : i32
    %dma_wait3A_53 = tpu.memref_slice %arg6[%dma_wait3A_51, %dma_wait3A_52] : memref<158x128xi32, #tpu.memory_space<vmem>> -> memref<1x128xi32, #tpu.memory_space<vmem>>
    %dma_wait3A_54 = tpu.memref_squeeze %dma_wait3A_53 : memref<1x128xi32, #tpu.memory_space<vmem>> -> memref<128xi32, #tpu.memory_space<vmem>>
    %dma_wait3A_55 = arith.constant 0 : i32
    %dma_wait3A_56 = arith.constant 0 : i32
    %dma_wait3A_57 = tpu.memref_slice %arg2[%arg0, %dma_wait3A_55, %dma_wait3A_56] : memref<2x10240x64xf32, #tpu.memory_space<hbm>> -> memref<1x10240x64xf32, #tpu.memory_space<hbm>>
    %dma_wait3A_58 = tpu.memref_squeeze %dma_wait3A_57 : memref<1x10240x64xf32, #tpu.memory_space<hbm>> -> memref<10240x64xf32, #tpu.memory_space<hbm>>
    %dma_wait3A_59 = arith.constant 0 : i32
    %dma_wait3A_60 = arith.constant 0 : i32
    %dma_wait3A_61 = tpu.memref_slice %dma_wait3A_58[%dma_wait3A_59, %dma_wait3A_60] : memref<10240x64xf32, #tpu.memory_space<hbm>> -> memref<10240x64xf32, #tpu.memory_space<hbm>>
    tpu.wait_indirect_dma semaphore(%arg13 : memref<!tpu.dma_semaphore, #tpu.memory_space<semaphore_mem>>) src(%dma_wait3A_61 : memref<10240x64xf32, #tpu.memory_space<hbm>>) dst(%arg9 : memref<128x64xf32, #tpu.memory_space<vmem>>)
    %run_scoped3A_62 = arith.constant 157 : i32
    "tpu.region"() ({
      %run_scoped3A_64 = tpu.sem_alloc : memref<!tpu.dma_semaphore, #tpu.memory_space<semaphore_mem>>
      %dma_start3A_65 = arith.constant 0 : i32
      %dma_start3A_66 = tpu.memref_slice %arg7[%run_scoped3A_62, %dma_start3A_65] : memref<158x128xi32, #tpu.memory_space<vmem>> -> memref<1x128xi32, #tpu.memory_space<vmem>>
      %dma_start3A_67 = tpu.memref_squeeze %dma_start3A_66 : memref<1x128xi32, #tpu.memory_space<vmem>> -> memref<128xi32, #tpu.memory_space<vmem>>
      %dma_start3A_68 = arith.constant 0 : i32
      %dma_start3A_69 = arith.constant 0 : i32
      %dma_start3A_70 = tpu.memref_slice %arg11[%dma_start3A_68, %dma_start3A_69] : memref<10240x64xf32, #tpu.memory_space<vmem_shared>> -> memref<10240x64xf32, #tpu.memory_space<vmem_shared>>
      tpu.enqueue_indirect_dma source(%arg9 : memref<128x64xf32, #tpu.memory_space<vmem>>) target(%dma_start3A_70 : memref<10240x64xf32, #tpu.memory_space<vmem_shared>>) offsets(%dma_start3A_67 : memref<128xi32, #tpu.memory_space<vmem>>) semaphore(%run_scoped3A_64 : memref<!tpu.dma_semaphore, #tpu.memory_space<semaphore_mem>>) {add = true}
      %dma_wait3A_71 = arith.constant 0 : i32
      %dma_wait3A_72 = tpu.memref_slice %arg7[%run_scoped3A_62, %dma_wait3A_71] : memref<158x128xi32, #tpu.memory_space<vmem>> -> memref<1x128xi32, #tpu.memory_space<vmem>>
      %dma_wait3A_73 = tpu.memref_squeeze %dma_wait3A_72 : memref<1x128xi32, #tpu.memory_space<vmem>> -> memref<128xi32, #tpu.memory_space<vmem>>
      %dma_wait3A_74 = arith.constant 0 : i32
      %dma_wait3A_75 = arith.constant 0 : i32
      %dma_wait3A_76 = tpu.memref_slice %arg11[%dma_wait3A_74, %dma_wait3A_75] : memref<10240x64xf32, #tpu.memory_space<vmem_shared>> -> memref<10240x64xf32, #tpu.memory_space<vmem_shared>>
      tpu.wait_indirect_dma semaphore(%run_scoped3A_64 : memref<!tpu.dma_semaphore, #tpu.memory_space<semaphore_mem>>) src(%arg9 : memref<128x64xf32, #tpu.memory_space<vmem>>) dst(%dma_wait3A_76 : memref<10240x64xf32, #tpu.memory_space<vmem_shared>>)
      tpu.yield
    }) : () -> ()
    %barrier3A_63 = arith.constant 0 : index
    tpu.barrier barrier_id(%barrier3A_63)
    "tpu.region"() ({
      %run_scoped3A_64 = tpu.sem_alloc : memref<!tpu.dma_semaphore, #tpu.memory_space<semaphore_mem>>
      %dma_start3A_65 = arith.constant 0 : i32
      %dma_start3A_66 = tpu.memref_slice %arg5[%arg0, %mul3A_5, %dma_start3A_65] : memref<2x10240x64xf32, #tpu.memory_space<hbm>> -> memref<1x640x64xf32, #tpu.memory_space<hbm>>
      %dma_start3A_67 = tpu.memref_squeeze %dma_start3A_66 : memref<1x640x64xf32, #tpu.memory_space<hbm>> -> memref<640x64xf32, #tpu.memory_space<hbm>>
      %dma_start3A_68 = arith.constant 0 : i32
      %dma_start3A_69 = tpu.memref_slice %arg11[%mul3A_5, %dma_start3A_68] : memref<10240x64xf32, #tpu.memory_space<vmem_shared>> -> memref<640x64xf32, #tpu.memory_space<vmem_shared>>
      tpu.enqueue_dma source(%dma_start3A_69 : memref<640x64xf32, #tpu.memory_space<vmem_shared>>) target(%dma_start3A_67 : memref<640x64xf32, #tpu.memory_space<hbm>>) target_semaphore(%run_scoped3A_64 : memref<!tpu.dma_semaphore, #tpu.memory_space<semaphore_mem>>)
      %dma_wait3A_70 = arith.constant 0 : i32
      %dma_wait3A_71 = tpu.memref_slice %arg5[%arg0, %mul3A_5, %dma_wait3A_70] : memref<2x10240x64xf32, #tpu.memory_space<hbm>> -> memref<1x640x64xf32, #tpu.memory_space<hbm>>
      %dma_wait3A_72 = tpu.memref_squeeze %dma_wait3A_71 : memref<1x640x64xf32, #tpu.memory_space<hbm>> -> memref<640x64xf32, #tpu.memory_space<hbm>>
      %dma_wait3A_73 = arith.constant 0 : i32
      %dma_wait3A_74 = tpu.memref_slice %arg11[%mul3A_5, %dma_wait3A_73] : memref<10240x64xf32, #tpu.memory_space<vmem_shared>> -> memref<640x64xf32, #tpu.memory_space<vmem_shared>>
      tpu.wait_dma2 semaphore(%run_scoped3A_64 : memref<!tpu.dma_semaphore, #tpu.memory_space<semaphore_mem>>) src(%dma_wait3A_74 : memref<640x64xf32, #tpu.memory_space<vmem_shared>>) dst(%dma_wait3A_72 : memref<640x64xf32, #tpu.memory_space<hbm>>)
      tpu.yield
    }) : () -> ()
    return
  }
}

#map = affine_map<(d0, d1) -> (0, 0, 0)>
module attributes {stable_mosaic.version = 14 : i64} {
  func.func @deg_kernel(%arg0: i32, %arg1: i32, %arg2: memref<16x158x128xi32, #tpu.memory_space<hbm>>, %arg3: memref<2x10240x16xf32, #tpu.memory_space<hbm>>, %arg4: memref<158x128xi32, #tpu.memory_space<vmem>>, %arg5: memref<128x16xf32, #tpu.memory_space<vmem>>, %arg6: memref<128x16xf32, #tpu.memory_space<vmem>>, %arg7: memref<10240x16xf32, #tpu.memory_space<vmem_shared>>) attributes {dimension_semantics = [#tpu.dimension_semantics<core_parallel>, #tpu.dimension_semantics<subcore_parallel>], iteration_bounds = array<i64: 2, 16>, scalar_prefetch = 0 : i64, scratch_operands = 4 : i64, tpu.core_type = #tpu.core_type<sc_vector_subcore>, window_params = [{transform_indices = #map}, {transform_indices = #map}]} {
    %broadcast_in_dim3A = arith.constant 1.000000e+00 : f32
    %broadcast_in_dim3A_0 = vector.broadcast %broadcast_in_dim3A : f32 to vector<16xf32>
    %broadcast_in_dim3A_1 = arith.constant 0.000000e+00 : f32
    %broadcast_in_dim3A_2 = vector.broadcast %broadcast_in_dim3A_1 : f32 to vector<16xf32>
    %scan3A = arith.constant 0 : i32
    %scan3A_3 = arith.constant 128 : i32
    %scan3A_4 = arith.addi %scan3A, %scan3A_3 : i32
    %scan3A_5 = arith.constant 1 : i32
    scf.for %scan3A_41 = %scan3A to %scan3A_4 step %scan3A_5  : i32 {
      %mul3A_42 = arith.constant 1 : i32
      %mul3A_43 = arith.muli %scan3A_41, %mul3A_42 : i32
      %add3A_44 = arith.constant 0 : i32
      %add3A_45 = arith.addi %add3A_44, %mul3A_43 : i32
      %swap3A = arith.index_cast %add3A_45 : i32 to index
      %swap3A_46 = arith.constant 0 : index
      %swap3A_47 = tpu.vector_load %arg5[%swap3A, %swap3A_46] {strides = array<i32>} : memref<128x16xf32, #tpu.memory_space<vmem>>, vector<1x16xf32>,
      %swap3A_48 = vector.shape_cast %swap3A_47 : vector<1x16xf32> to vector<16xf32>
      %swap3A_49 = vector.shape_cast %broadcast_in_dim3A_0 : vector<16xf32> to vector<1x16xf32>
      tpu.vector_store %arg5[%swap3A, %swap3A_46], %swap3A_49 {strides = array<i32>} : memref<128x16xf32, #tpu.memory_space<vmem>>, vector<1x16xf32>,
    }
    %scan3A_6 = arith.constant 128 : i32
    %scan3A_7 = arith.constant 0 : i32
    %scan3A_8 = arith.constant 128 : i32
    %scan3A_9 = arith.addi %scan3A_7, %scan3A_8 : i32
    %scan3A_10 = arith.constant 1 : i32
    scf.for %scan3A_41 = %scan3A_7 to %scan3A_9 step %scan3A_10  : i32 {
      %mul3A_42 = arith.constant 1 : i32
      %mul3A_43 = arith.muli %scan3A_41, %mul3A_42 : i32
      %add3A_44 = arith.constant 0 : i32
      %add3A_45 = arith.addi %add3A_44, %mul3A_43 : i32
      %swap3A = arith.index_cast %add3A_45 : i32 to index
      %swap3A_46 = arith.constant 0 : index
      %swap3A_47 = tpu.vector_load %arg6[%swap3A, %swap3A_46] {strides = array<i32>} : memref<128x16xf32, #tpu.memory_space<vmem>>, vector<1x16xf32>,
      %swap3A_48 = vector.shape_cast %swap3A_47 : vector<1x16xf32> to vector<16xf32>
      %swap3A_49 = vector.shape_cast %broadcast_in_dim3A_2 : vector<16xf32> to vector<1x16xf32>
      tpu.vector_store %arg6[%swap3A, %swap3A_46], %swap3A_49 {strides = array<i32>} : memref<128x16xf32, #tpu.memory_space<vmem>>, vector<1x16xf32>,
    }
    %scan3A_11 = arith.constant 128 : i32
    %mul3A = arith.constant 640 : i32
    %mul3A_12 = arith.muli %arg1, %mul3A : i32
    %add3A = arith.constant 0 : i32
    %add3A_13 = arith.addi %mul3A_12, %add3A : i32
    "tpu.region"() ({
      %run_scoped3A = tpu.sem_alloc : memref<!tpu.dma_semaphore, #tpu.memory_space<semaphore_mem>>
      %dma_start3A = arith.constant 0 : i32
      %dma_start3A_41 = tpu.memref_slice %arg7[%add3A_13, %dma_start3A] : memref<10240x16xf32, #tpu.memory_space<vmem_shared>> -> memref<128x16xf32, #tpu.memory_space<vmem_shared>>
      %dma_start3A_42 = arith.constant 0 : i32
      %dma_start3A_43 = tpu.memref_slice %arg7[%add3A_13, %dma_start3A_42] : memref<10240x16xf32, #tpu.memory_space<vmem_shared>> -> memref<128x16xf32, #tpu.memory_space<vmem_shared>>
      tpu.enqueue_dma source(%arg6 : memref<128x16xf32, #tpu.memory_space<vmem>>) target(%dma_start3A_43 : memref<128x16xf32, #tpu.memory_space<vmem_shared>>) target_semaphore(%run_scoped3A : memref<!tpu.dma_semaphore, #tpu.memory_space<semaphore_mem>>)
      %dma_wait3A = arith.constant 0 : i32
      %dma_wait3A_44 = tpu.memref_slice %arg7[%add3A_13, %dma_wait3A] : memref<10240x16xf32, #tpu.memory_space<vmem_shared>> -> memref<128x16xf32, #tpu.memory_space<vmem_shared>>
      %dma_wait3A_45 = arith.constant 0 : i32
      %dma_wait3A_46 = tpu.memref_slice %arg7[%add3A_13, %dma_wait3A_45] : memref<10240x16xf32, #tpu.memory_space<vmem_shared>> -> memref<128x16xf32, #tpu.memory_space<vmem_shared>>
      tpu.wait_dma2 semaphore(%run_scoped3A : memref<!tpu.dma_semaphore, #tpu.memory_space<semaphore_mem>>) src(%arg6 : memref<128x16xf32, #tpu.memory_space<vmem>>) dst(%dma_wait3A_46 : memref<128x16xf32, #tpu.memory_space<vmem_shared>>)
      tpu.yield
    }) : () -> ()
    %add3A_14 = arith.constant 128 : i32
    %add3A_15 = arith.addi %mul3A_12, %add3A_14 : i32
    "tpu.region"() ({
      %run_scoped3A = tpu.sem_alloc : memref<!tpu.dma_semaphore, #tpu.memory_space<semaphore_mem>>
      %dma_start3A = arith.constant 0 : i32
      %dma_start3A_41 = tpu.memref_slice %arg7[%add3A_15, %dma_start3A] : memref<10240x16xf32, #tpu.memory_space<vmem_shared>> -> memref<128x16xf32, #tpu.memory_space<vmem_shared>>
      %dma_start3A_42 = arith.constant 0 : i32
      %dma_start3A_43 = tpu.memref_slice %arg7[%add3A_15, %dma_start3A_42] : memref<10240x16xf32, #tpu.memory_space<vmem_shared>> -> memref<128x16xf32, #tpu.memory_space<vmem_shared>>
      tpu.enqueue_dma source(%arg6 : memref<128x16xf32, #tpu.memory_space<vmem>>) target(%dma_start3A_43 : memref<128x16xf32, #tpu.memory_space<vmem_shared>>) target_semaphore(%run_scoped3A : memref<!tpu.dma_semaphore, #tpu.memory_space<semaphore_mem>>)
      %dma_wait3A = arith.constant 0 : i32
      %dma_wait3A_44 = tpu.memref_slice %arg7[%add3A_15, %dma_wait3A] : memref<10240x16xf32, #tpu.memory_space<vmem_shared>> -> memref<128x16xf32, #tpu.memory_space<vmem_shared>>
      %dma_wait3A_45 = arith.constant 0 : i32
      %dma_wait3A_46 = tpu.memref_slice %arg7[%add3A_15, %dma_wait3A_45] : memref<10240x16xf32, #tpu.memory_space<vmem_shared>> -> memref<128x16xf32, #tpu.memory_space<vmem_shared>>
      tpu.wait_dma2 semaphore(%run_scoped3A : memref<!tpu.dma_semaphore, #tpu.memory_space<semaphore_mem>>) src(%arg6 : memref<128x16xf32, #tpu.memory_space<vmem>>) dst(%dma_wait3A_46 : memref<128x16xf32, #tpu.memory_space<vmem_shared>>)
      tpu.yield
    }) : () -> ()
    %add3A_16 = arith.constant 256 : i32
    %add3A_17 = arith.addi %mul3A_12, %add3A_16 : i32
    "tpu.region"() ({
      %run_scoped3A = tpu.sem_alloc : memref<!tpu.dma_semaphore, #tpu.memory_space<semaphore_mem>>
      %dma_start3A = arith.constant 0 : i32
      %dma_start3A_41 = tpu.memref_slice %arg7[%add3A_17, %dma_start3A] : memref<10240x16xf32, #tpu.memory_space<vmem_shared>> -> memref<128x16xf32, #tpu.memory_space<vmem_shared>>
      %dma_start3A_42 = arith.constant 0 : i32
      %dma_start3A_43 = tpu.memref_slice %arg7[%add3A_17, %dma_start3A_42] : memref<10240x16xf32, #tpu.memory_space<vmem_shared>> -> memref<128x16xf32, #tpu.memory_space<vmem_shared>>
      tpu.enqueue_dma source(%arg6 : memref<128x16xf32, #tpu.memory_space<vmem>>) target(%dma_start3A_43 : memref<128x16xf32, #tpu.memory_space<vmem_shared>>) target_semaphore(%run_scoped3A : memref<!tpu.dma_semaphore, #tpu.memory_space<semaphore_mem>>)
      %dma_wait3A = arith.constant 0 : i32
      %dma_wait3A_44 = tpu.memref_slice %arg7[%add3A_17, %dma_wait3A] : memref<10240x16xf32, #tpu.memory_space<vmem_shared>> -> memref<128x16xf32, #tpu.memory_space<vmem_shared>>
      %dma_wait3A_45 = arith.constant 0 : i32
      %dma_wait3A_46 = tpu.memref_slice %arg7[%add3A_17, %dma_wait3A_45] : memref<10240x16xf32, #tpu.memory_space<vmem_shared>> -> memref<128x16xf32, #tpu.memory_space<vmem_shared>>
      tpu.wait_dma2 semaphore(%run_scoped3A : memref<!tpu.dma_semaphore, #tpu.memory_space<semaphore_mem>>) src(%arg6 : memref<128x16xf32, #tpu.memory_space<vmem>>) dst(%dma_wait3A_46 : memref<128x16xf32, #tpu.memory_space<vmem_shared>>)
      tpu.yield
    }) : () -> ()
    %add3A_18 = arith.constant 384 : i32
    %add3A_19 = arith.addi %mul3A_12, %add3A_18 : i32
    "tpu.region"() ({
      %run_scoped3A = tpu.sem_alloc : memref<!tpu.dma_semaphore, #tpu.memory_space<semaphore_mem>>
      %dma_start3A = arith.constant 0 : i32
      %dma_start3A_41 = tpu.memref_slice %arg7[%add3A_19, %dma_start3A] : memref<10240x16xf32, #tpu.memory_space<vmem_shared>> -> memref<128x16xf32, #tpu.memory_space<vmem_shared>>
      %dma_start3A_42 = arith.constant 0 : i32
      %dma_start3A_43 = tpu.memref_slice %arg7[%add3A_19, %dma_start3A_42] : memref<10240x16xf32, #tpu.memory_space<vmem_shared>> -> memref<128x16xf32, #tpu.memory_space<vmem_shared>>
      tpu.enqueue_dma source(%arg6 : memref<128x16xf32, #tpu.memory_space<vmem>>) target(%dma_start3A_43 : memref<128x16xf32, #tpu.memory_space<vmem_shared>>) target_semaphore(%run_scoped3A : memref<!tpu.dma_semaphore, #tpu.memory_space<semaphore_mem>>)
      %dma_wait3A = arith.constant 0 : i32
      %dma_wait3A_44 = tpu.memref_slice %arg7[%add3A_19, %dma_wait3A] : memref<10240x16xf32, #tpu.memory_space<vmem_shared>> -> memref<128x16xf32, #tpu.memory_space<vmem_shared>>
      %dma_wait3A_45 = arith.constant 0 : i32
      %dma_wait3A_46 = tpu.memref_slice %arg7[%add3A_19, %dma_wait3A_45] : memref<10240x16xf32, #tpu.memory_space<vmem_shared>> -> memref<128x16xf32, #tpu.memory_space<vmem_shared>>
      tpu.wait_dma2 semaphore(%run_scoped3A : memref<!tpu.dma_semaphore, #tpu.memory_space<semaphore_mem>>) src(%arg6 : memref<128x16xf32, #tpu.memory_space<vmem>>) dst(%dma_wait3A_46 : memref<128x16xf32, #tpu.memory_space<vmem_shared>>)
      tpu.yield
    }) : () -> ()
    %add3A_20 = arith.constant 512 : i32
    %add3A_21 = arith.addi %mul3A_12, %add3A_20 : i32
    "tpu.region"() ({
      %run_scoped3A = tpu.sem_alloc : memref<!tpu.dma_semaphore, #tpu.memory_space<semaphore_mem>>
      %dma_start3A = arith.constant 0 : i32
      %dma_start3A_41 = tpu.memref_slice %arg7[%add3A_21, %dma_start3A] : memref<10240x16xf32, #tpu.memory_space<vmem_shared>> -> memref<128x16xf32, #tpu.memory_space<vmem_shared>>
      %dma_start3A_42 = arith.constant 0 : i32
      %dma_start3A_43 = tpu.memref_slice %arg7[%add3A_21, %dma_start3A_42] : memref<10240x16xf32, #tpu.memory_space<vmem_shared>> -> memref<128x16xf32, #tpu.memory_space<vmem_shared>>
      tpu.enqueue_dma source(%arg6 : memref<128x16xf32, #tpu.memory_space<vmem>>) target(%dma_start3A_43 : memref<128x16xf32, #tpu.memory_space<vmem_shared>>) target_semaphore(%run_scoped3A : memref<!tpu.dma_semaphore, #tpu.memory_space<semaphore_mem>>)
      %dma_wait3A = arith.constant 0 : i32
      %dma_wait3A_44 = tpu.memref_slice %arg7[%add3A_21, %dma_wait3A] : memref<10240x16xf32, #tpu.memory_space<vmem_shared>> -> memref<128x16xf32, #tpu.memory_space<vmem_shared>>
      %dma_wait3A_45 = arith.constant 0 : i32
      %dma_wait3A_46 = tpu.memref_slice %arg7[%add3A_21, %dma_wait3A_45] : memref<10240x16xf32, #tpu.memory_space<vmem_shared>> -> memref<128x16xf32, #tpu.memory_space<vmem_shared>>
      tpu.wait_dma2 semaphore(%run_scoped3A : memref<!tpu.dma_semaphore, #tpu.memory_space<semaphore_mem>>) src(%arg6 : memref<128x16xf32, #tpu.memory_space<vmem>>) dst(%dma_wait3A_46 : memref<128x16xf32, #tpu.memory_space<vmem_shared>>)
      tpu.yield
    }) : () -> ()
    "tpu.region"() ({
      %run_scoped3A = tpu.sem_alloc : memref<!tpu.dma_semaphore, #tpu.memory_space<semaphore_mem>>
      %dma_start3A = arith.constant 0 : i32
      %dma_start3A_41 = arith.constant 0 : i32
      %dma_start3A_42 = tpu.memref_slice %arg2[%arg1, %dma_start3A, %dma_start3A_41] : memref<16x158x128xi32, #tpu.memory_space<hbm>> -> memref<1x158x128xi32, #tpu.memory_space<hbm>>
      %dma_start3A_43 = tpu.memref_squeeze %dma_start3A_42 : memref<1x158x128xi32, #tpu.memory_space<hbm>> -> memref<158x128xi32, #tpu.memory_space<hbm>>
      %dma_start3A_44 = arith.constant 0 : i32
      %dma_start3A_45 = arith.constant 0 : i32
      %dma_start3A_46 = tpu.memref_slice %arg2[%arg1, %dma_start3A_44, %dma_start3A_45] : memref<16x158x128xi32, #tpu.memory_space<hbm>> -> memref<1x158x128xi32, #tpu.memory_space<hbm>>
      %dma_start3A_47 = tpu.memref_squeeze %dma_start3A_46 : memref<1x158x128xi32, #tpu.memory_space<hbm>> -> memref<158x128xi32, #tpu.memory_space<hbm>>
      tpu.enqueue_dma source(%dma_start3A_47 : memref<158x128xi32, #tpu.memory_space<hbm>>) target(%arg4 : memref<158x128xi32, #tpu.memory_space<vmem>>) target_semaphore(%run_scoped3A : memref<!tpu.dma_semaphore, #tpu.memory_space<semaphore_mem>>)
      %dma_wait3A = arith.constant 0 : i32
      %dma_wait3A_48 = arith.constant 0 : i32
      %dma_wait3A_49 = tpu.memref_slice %arg2[%arg1, %dma_wait3A, %dma_wait3A_48] : memref<16x158x128xi32, #tpu.memory_space<hbm>> -> memref<1x158x128xi32, #tpu.memory_space<hbm>>
      %dma_wait3A_50 = tpu.memref_squeeze %dma_wait3A_49 : memref<1x158x128xi32, #tpu.memory_space<hbm>> -> memref<158x128xi32, #tpu.memory_space<hbm>>
      %dma_wait3A_51 = arith.constant 0 : i32
      %dma_wait3A_52 = arith.constant 0 : i32
      %dma_wait3A_53 = tpu.memref_slice %arg2[%arg1, %dma_wait3A_51, %dma_wait3A_52] : memref<16x158x128xi32, #tpu.memory_space<hbm>> -> memref<1x158x128xi32, #tpu.memory_space<hbm>>
      %dma_wait3A_54 = tpu.memref_squeeze %dma_wait3A_53 : memref<1x158x128xi32, #tpu.memory_space<hbm>> -> memref<158x128xi32, #tpu.memory_space<hbm>>
      tpu.wait_dma2 semaphore(%run_scoped3A : memref<!tpu.dma_semaphore, #tpu.memory_space<semaphore_mem>>) src(%dma_wait3A_54 : memref<158x128xi32, #tpu.memory_space<hbm>>) dst(%arg4 : memref<158x128xi32, #tpu.memory_space<vmem>>)
      tpu.yield
    }) : () -> ()
    %barrier3A = arith.constant 0 : index
    tpu.barrier barrier_id(%barrier3A)
    %mul3A_22 = arith.constant 79 : i32
    %mul3A_23 = arith.muli %arg0, %mul3A_22 : i32
    %add3A_24 = arith.constant 79 : i32
    %add3A_25 = arith.addi %mul3A_23, %add3A_24 : i32
    %sub3A = arith.subi %add3A_25, %mul3A_23 : i32
    %sub3A_26 = arith.constant 1 : i32
    %sub3A_27 = arith.constant 1 : i32
    %sub3A_28 = arith.subi %sub3A_26, %sub3A_27 : i32
    %add3A_29 = arith.addi %sub3A, %sub3A_28 : i32
    %div3A = arith.constant 1 : i32
    %div3A_30 = arith.divsi %add3A_29, %div3A : i32
    %while3A = arith.constant 1 : i32
    %while3A_31 = arith.constant 0 : i32
    %while3A_32 = arith.subi %div3A_30, %while3A_31 : i32
    %while3A_33 = arith.addi %while3A_31, %while3A_32 : i32
    %while3A_34 = arith.constant 1 : i32
    %while3A_35 = arith.divsi %while3A_32, %while3A_34 : i32
    %while3A_36 = arith.muli %while3A_35, %while3A_34 : i32
    %while3A_37 = arith.addi %while3A_31, %while3A_36 : i32
    %while3A_38 = arith.constant 1 : i32
    scf.for %while3A_41 = %while3A_31 to %while3A_37 step %while3A_38  : i32 {
      %mul3A_42 = arith.muli %while3A_41, %while3A : i32
      %add3A_43 = arith.addi %mul3A_23, %mul3A_42 : i32
      "tpu.region"() ({
        %run_scoped3A = tpu.sem_alloc : memref<!tpu.dma_semaphore, #tpu.memory_space<semaphore_mem>>
        %dma_start3A = arith.constant 0 : i32
        %dma_start3A_44 = tpu.memref_slice %arg4[%add3A_43, %dma_start3A] : memref<158x128xi32, #tpu.memory_space<vmem>> -> memref<1x128xi32, #tpu.memory_space<vmem>>
        %dma_start3A_45 = tpu.memref_squeeze %dma_start3A_44 : memref<1x128xi32, #tpu.memory_space<vmem>> -> memref<128xi32, #tpu.memory_space<vmem>>
        %dma_start3A_46 = arith.constant 0 : i32
        %dma_start3A_47 = arith.constant 0 : i32
        %dma_start3A_48 = tpu.memref_slice %arg7[%dma_start3A_46, %dma_start3A_47] : memref<10240x16xf32, #tpu.memory_space<vmem_shared>> -> memref<10240x16xf32, #tpu.memory_space<vmem_shared>>
        tpu.enqueue_indirect_dma source(%arg5 : memref<128x16xf32, #tpu.memory_space<vmem>>) target(%dma_start3A_48 : memref<10240x16xf32, #tpu.memory_space<vmem_shared>>) offsets(%dma_start3A_45 : memref<128xi32, #tpu.memory_space<vmem>>) semaphore(%run_scoped3A : memref<!tpu.dma_semaphore, #tpu.memory_space<semaphore_mem>>) {add = true}
        %dma_wait3A = arith.constant 0 : i32
        %dma_wait3A_49 = tpu.memref_slice %arg4[%add3A_43, %dma_wait3A] : memref<158x128xi32, #tpu.memory_space<vmem>> -> memref<1x128xi32, #tpu.memory_space<vmem>>
        %dma_wait3A_50 = tpu.memref_squeeze %dma_wait3A_49 : memref<1x128xi32, #tpu.memory_space<vmem>> -> memref<128xi32, #tpu.memory_space<vmem>>
        %dma_wait3A_51 = arith.constant 0 : i32
        %dma_wait3A_52 = arith.constant 0 : i32
        %dma_wait3A_53 = tpu.memref_slice %arg7[%dma_wait3A_51, %dma_wait3A_52] : memref<10240x16xf32, #tpu.memory_space<vmem_shared>> -> memref<10240x16xf32, #tpu.memory_space<vmem_shared>>
        tpu.wait_indirect_dma semaphore(%run_scoped3A : memref<!tpu.dma_semaphore, #tpu.memory_space<semaphore_mem>>) src(%arg5 : memref<128x16xf32, #tpu.memory_space<vmem>>) dst(%dma_wait3A_53 : memref<10240x16xf32, #tpu.memory_space<vmem_shared>>)
        tpu.yield
      }) : () -> ()
    }
    %while3A_39 = arith.constant 1 : i32
    scf.for %while3A_41 = %while3A_37 to %while3A_33 step %while3A_39  : i32 {
      %mul3A_42 = arith.muli %while3A_41, %while3A : i32
      %add3A_43 = arith.addi %mul3A_23, %mul3A_42 : i32
      "tpu.region"() ({
        %run_scoped3A = tpu.sem_alloc : memref<!tpu.dma_semaphore, #tpu.memory_space<semaphore_mem>>
        %dma_start3A = arith.constant 0 : i32
        %dma_start3A_44 = tpu.memref_slice %arg4[%add3A_43, %dma_start3A] : memref<158x128xi32, #tpu.memory_space<vmem>> -> memref<1x128xi32, #tpu.memory_space<vmem>>
        %dma_start3A_45 = tpu.memref_squeeze %dma_start3A_44 : memref<1x128xi32, #tpu.memory_space<vmem>> -> memref<128xi32, #tpu.memory_space<vmem>>
        %dma_start3A_46 = arith.constant 0 : i32
        %dma_start3A_47 = arith.constant 0 : i32
        %dma_start3A_48 = tpu.memref_slice %arg7[%dma_start3A_46, %dma_start3A_47] : memref<10240x16xf32, #tpu.memory_space<vmem_shared>> -> memref<10240x16xf32, #tpu.memory_space<vmem_shared>>
        tpu.enqueue_indirect_dma source(%arg5 : memref<128x16xf32, #tpu.memory_space<vmem>>) target(%dma_start3A_48 : memref<10240x16xf32, #tpu.memory_space<vmem_shared>>) offsets(%dma_start3A_45 : memref<128xi32, #tpu.memory_space<vmem>>) semaphore(%run_scoped3A : memref<!tpu.dma_semaphore, #tpu.memory_space<semaphore_mem>>) {add = true}
        %dma_wait3A = arith.constant 0 : i32
        %dma_wait3A_49 = tpu.memref_slice %arg4[%add3A_43, %dma_wait3A] : memref<158x128xi32, #tpu.memory_space<vmem>> -> memref<1x128xi32, #tpu.memory_space<vmem>>
        %dma_wait3A_50 = tpu.memref_squeeze %dma_wait3A_49 : memref<1x128xi32, #tpu.memory_space<vmem>> -> memref<128xi32, #tpu.memory_space<vmem>>
        %dma_wait3A_51 = arith.constant 0 : i32
        %dma_wait3A_52 = arith.constant 0 : i32
        %dma_wait3A_53 = tpu.memref_slice %arg7[%dma_wait3A_51, %dma_wait3A_52] : memref<10240x16xf32, #tpu.memory_space<vmem_shared>> -> memref<10240x16xf32, #tpu.memory_space<vmem_shared>>
        tpu.wait_indirect_dma semaphore(%run_scoped3A : memref<!tpu.dma_semaphore, #tpu.memory_space<semaphore_mem>>) src(%arg5 : memref<128x16xf32, #tpu.memory_space<vmem>>) dst(%dma_wait3A_53 : memref<10240x16xf32, #tpu.memory_space<vmem_shared>>)
        tpu.yield
      }) : () -> ()
    }
    %barrier3A_40 = arith.constant 0 : index
    tpu.barrier barrier_id(%barrier3A_40)
    "tpu.region"() ({
      %run_scoped3A = tpu.sem_alloc : memref<!tpu.dma_semaphore, #tpu.memory_space<semaphore_mem>>
      %dma_start3A = arith.constant 0 : i32
      %dma_start3A_41 = tpu.memref_slice %arg3[%arg0, %mul3A_12, %dma_start3A] : memref<2x10240x16xf32, #tpu.memory_space<hbm>> -> memref<1x640x16xf32, #tpu.memory_space<hbm>>
      %dma_start3A_42 = tpu.memref_squeeze %dma_start3A_41 : memref<1x640x16xf32, #tpu.memory_space<hbm>> -> memref<640x16xf32, #tpu.memory_space<hbm>>
      %dma_start3A_43 = arith.constant 0 : i32
      %dma_start3A_44 = tpu.memref_slice %arg7[%mul3A_12, %dma_start3A_43] : memref<10240x16xf32, #tpu.memory_space<vmem_shared>> -> memref<640x16xf32, #tpu.memory_space<vmem_shared>>
      tpu.enqueue_dma source(%dma_start3A_44 : memref<640x16xf32, #tpu.memory_space<vmem_shared>>) target(%dma_start3A_42 : memref<640x16xf32, #tpu.memory_space<hbm>>) target_semaphore(%run_scoped3A : memref<!tpu.dma_semaphore, #tpu.memory_space<semaphore_mem>>)
      %dma_wait3A = arith.constant 0 : i32
      %dma_wait3A_45 = tpu.memref_slice %arg3[%arg0, %mul3A_12, %dma_wait3A] : memref<2x10240x16xf32, #tpu.memory_space<hbm>> -> memref<1x640x16xf32, #tpu.memory_space<hbm>>
      %dma_wait3A_46 = tpu.memref_squeeze %dma_wait3A_45 : memref<1x640x16xf32, #tpu.memory_space<hbm>> -> memref<640x16xf32, #tpu.memory_space<hbm>>
      %dma_wait3A_47 = arith.constant 0 : i32
      %dma_wait3A_48 = tpu.memref_slice %arg7[%mul3A_12, %dma_wait3A_47] : memref<10240x16xf32, #tpu.memory_space<vmem_shared>> -> memref<640x16xf32, #tpu.memory_space<vmem_shared>>
      tpu.wait_dma2 semaphore(%run_scoped3A : memref<!tpu.dma_semaphore, #tpu.memory_space<semaphore_mem>>) src(%dma_wait3A_48 : memref<640x16xf32, #tpu.memory_space<vmem_shared>>) dst(%dma_wait3A_46 : memref<640x16xf32, #tpu.memory_space<hbm>>)
      tpu.yield
    }) : () -> ()
    return
  }
}

#map = affine_map<(d0, d1) -> (0, 0, 0)>
module attributes {stable_mosaic.version = 14 : i64} {
  func.func @agg_kernel(%arg0: i32, %arg1: i32, %arg2: memref<2x10240x32xf32, #tpu.memory_space<hbm>>, %arg3: memref<16x158x128xi32, #tpu.memory_space<hbm>>, %arg4: memref<16x158x128xi32, #tpu.memory_space<hbm>>, %arg5: memref<2x10240x32xf32, #tpu.memory_space<hbm>>, %arg6: memref<158x128xi32, #tpu.memory_space<vmem>>, %arg7: memref<158x128xi32, #tpu.memory_space<vmem>>, %arg8: memref<128x32xf32, #tpu.memory_space<vmem>>, %arg9: memref<128x32xf32, #tpu.memory_space<vmem>>, %arg10: memref<128x32xf32, #tpu.memory_space<vmem>>, %arg11: memref<10240x32xf32, #tpu.memory_space<vmem_shared>>, %arg12: memref<!tpu.dma_semaphore, #tpu.memory_space<semaphore_mem>>, %arg13: memref<!tpu.dma_semaphore, #tpu.memory_space<semaphore_mem>>) attributes {dimension_semantics = [#tpu.dimension_semantics<core_parallel>, #tpu.dimension_semantics<subcore_parallel>], iteration_bounds = array<i64: 2, 16>, scalar_prefetch = 0 : i64, scratch_operands = 8 : i64, tpu.core_type = #tpu.core_type<sc_vector_subcore>, window_params = [{transform_indices = #map}, {transform_indices = #map}, {transform_indices = #map}, {transform_indices = #map}]} {
    %broadcast_in_dim3A = arith.constant 0.000000e+00 : f32
    %broadcast_in_dim3A_0 = vector.broadcast %broadcast_in_dim3A : f32 to vector<16xf32>
    %scan3A = arith.constant 0 : i32
    %scan3A_1 = arith.constant 128 : i32
    %scan3A_2 = arith.addi %scan3A, %scan3A_1 : i32
    %scan3A_3 = arith.constant 1 : i32
    scf.for %scan3A_64 = %scan3A to %scan3A_2 step %scan3A_3  : i32 {
      %mul3A_65 = arith.constant 1 : i32
      %mul3A_66 = arith.muli %scan3A_64, %mul3A_65 : i32
      %add3A_67 = arith.constant 0 : i32
      %add3A_68 = arith.addi %add3A_67, %mul3A_66 : i32
      %scan3A_69 = arith.constant 0 : i32
      %scan3A_70 = arith.constant 2 : i32
      %scan3A_71 = arith.addi %scan3A_69, %scan3A_70 : i32
      %scan3A_72 = arith.constant 1 : i32
      scf.for %scan3A_74 = %scan3A_69 to %scan3A_71 step %scan3A_72  : i32 {
        %mul3A_75 = arith.constant 16 : i32
        %mul3A_76 = arith.muli %scan3A_74, %mul3A_75 : i32
        %add3A_77 = arith.constant 0 : i32
        %add3A_78 = arith.addi %add3A_77, %mul3A_76 : i32
        %swap3A = arith.index_cast %add3A_68 : i32 to index
        %swap3A_79 = arith.index_cast %add3A_78 : i32 to index
        %swap3A_80 = tpu.vector_load %arg10[%swap3A, %swap3A_79] {strides = array<i32>} : memref<128x32xf32, #tpu.memory_space<vmem>>, vector<1x16xf32>,
        %swap3A_81 = vector.shape_cast %swap3A_80 : vector<1x16xf32> to vector<16xf32>
        %swap3A_82 = vector.shape_cast %broadcast_in_dim3A_0 : vector<16xf32> to vector<1x16xf32>
        tpu.vector_store %arg10[%swap3A, %swap3A_79], %swap3A_82 {strides = array<i32>} : memref<128x32xf32, #tpu.memory_space<vmem>>, vector<1x16xf32>,
      }
      %scan3A_73 = arith.constant 2 : i32
    }
    %scan3A_4 = arith.constant 128 : i32
    %mul3A = arith.constant 640 : i32
    %mul3A_5 = arith.muli %arg1, %mul3A : i32
    %add3A = arith.constant 0 : i32
    %add3A_6 = arith.addi %mul3A_5, %add3A : i32
    "tpu.region"() ({
      %run_scoped3A_64 = tpu.sem_alloc : memref<!tpu.dma_semaphore, #tpu.memory_space<semaphore_mem>>
      %dma_start3A_65 = arith.constant 0 : i32
      %dma_start3A_66 = tpu.memref_slice %arg11[%add3A_6, %dma_start3A_65] : memref<10240x32xf32, #tpu.memory_space<vmem_shared>> -> memref<128x32xf32, #tpu.memory_space<vmem_shared>>
      %dma_start3A_67 = arith.constant 0 : i32
      %dma_start3A_68 = tpu.memref_slice %arg11[%add3A_6, %dma_start3A_67] : memref<10240x32xf32, #tpu.memory_space<vmem_shared>> -> memref<128x32xf32, #tpu.memory_space<vmem_shared>>
      tpu.enqueue_dma source(%arg10 : memref<128x32xf32, #tpu.memory_space<vmem>>) target(%dma_start3A_68 : memref<128x32xf32, #tpu.memory_space<vmem_shared>>) target_semaphore(%run_scoped3A_64 : memref<!tpu.dma_semaphore, #tpu.memory_space<semaphore_mem>>)
      %dma_wait3A_69 = arith.constant 0 : i32
      %dma_wait3A_70 = tpu.memref_slice %arg11[%add3A_6, %dma_wait3A_69] : memref<10240x32xf32, #tpu.memory_space<vmem_shared>> -> memref<128x32xf32, #tpu.memory_space<vmem_shared>>
      %dma_wait3A_71 = arith.constant 0 : i32
      %dma_wait3A_72 = tpu.memref_slice %arg11[%add3A_6, %dma_wait3A_71] : memref<10240x32xf32, #tpu.memory_space<vmem_shared>> -> memref<128x32xf32, #tpu.memory_space<vmem_shared>>
      tpu.wait_dma2 semaphore(%run_scoped3A_64 : memref<!tpu.dma_semaphore, #tpu.memory_space<semaphore_mem>>) src(%arg10 : memref<128x32xf32, #tpu.memory_space<vmem>>) dst(%dma_wait3A_72 : memref<128x32xf32, #tpu.memory_space<vmem_shared>>)
      tpu.yield
    }) : () -> ()
    %add3A_7 = arith.constant 128 : i32
    %add3A_8 = arith.addi %mul3A_5, %add3A_7 : i32
    "tpu.region"() ({
      %run_scoped3A_64 = tpu.sem_alloc : memref<!tpu.dma_semaphore, #tpu.memory_space<semaphore_mem>>
      %dma_start3A_65 = arith.constant 0 : i32
      %dma_start3A_66 = tpu.memref_slice %arg11[%add3A_8, %dma_start3A_65] : memref<10240x32xf32, #tpu.memory_space<vmem_shared>> -> memref<128x32xf32, #tpu.memory_space<vmem_shared>>
      %dma_start3A_67 = arith.constant 0 : i32
      %dma_start3A_68 = tpu.memref_slice %arg11[%add3A_8, %dma_start3A_67] : memref<10240x32xf32, #tpu.memory_space<vmem_shared>> -> memref<128x32xf32, #tpu.memory_space<vmem_shared>>
      tpu.enqueue_dma source(%arg10 : memref<128x32xf32, #tpu.memory_space<vmem>>) target(%dma_start3A_68 : memref<128x32xf32, #tpu.memory_space<vmem_shared>>) target_semaphore(%run_scoped3A_64 : memref<!tpu.dma_semaphore, #tpu.memory_space<semaphore_mem>>)
      %dma_wait3A_69 = arith.constant 0 : i32
      %dma_wait3A_70 = tpu.memref_slice %arg11[%add3A_8, %dma_wait3A_69] : memref<10240x32xf32, #tpu.memory_space<vmem_shared>> -> memref<128x32xf32, #tpu.memory_space<vmem_shared>>
      %dma_wait3A_71 = arith.constant 0 : i32
      %dma_wait3A_72 = tpu.memref_slice %arg11[%add3A_8, %dma_wait3A_71] : memref<10240x32xf32, #tpu.memory_space<vmem_shared>> -> memref<128x32xf32, #tpu.memory_space<vmem_shared>>
      tpu.wait_dma2 semaphore(%run_scoped3A_64 : memref<!tpu.dma_semaphore, #tpu.memory_space<semaphore_mem>>) src(%arg10 : memref<128x32xf32, #tpu.memory_space<vmem>>) dst(%dma_wait3A_72 : memref<128x32xf32, #tpu.memory_space<vmem_shared>>)
      tpu.yield
    }) : () -> ()
    %add3A_9 = arith.constant 256 : i32
    %add3A_10 = arith.addi %mul3A_5, %add3A_9 : i32
    "tpu.region"() ({
      %run_scoped3A_64 = tpu.sem_alloc : memref<!tpu.dma_semaphore, #tpu.memory_space<semaphore_mem>>
      %dma_start3A_65 = arith.constant 0 : i32
      %dma_start3A_66 = tpu.memref_slice %arg11[%add3A_10, %dma_start3A_65] : memref<10240x32xf32, #tpu.memory_space<vmem_shared>> -> memref<128x32xf32, #tpu.memory_space<vmem_shared>>
      %dma_start3A_67 = arith.constant 0 : i32
      %dma_start3A_68 = tpu.memref_slice %arg11[%add3A_10, %dma_start3A_67] : memref<10240x32xf32, #tpu.memory_space<vmem_shared>> -> memref<128x32xf32, #tpu.memory_space<vmem_shared>>
      tpu.enqueue_dma source(%arg10 : memref<128x32xf32, #tpu.memory_space<vmem>>) target(%dma_start3A_68 : memref<128x32xf32, #tpu.memory_space<vmem_shared>>) target_semaphore(%run_scoped3A_64 : memref<!tpu.dma_semaphore, #tpu.memory_space<semaphore_mem>>)
      %dma_wait3A_69 = arith.constant 0 : i32
      %dma_wait3A_70 = tpu.memref_slice %arg11[%add3A_10, %dma_wait3A_69] : memref<10240x32xf32, #tpu.memory_space<vmem_shared>> -> memref<128x32xf32, #tpu.memory_space<vmem_shared>>
      %dma_wait3A_71 = arith.constant 0 : i32
      %dma_wait3A_72 = tpu.memref_slice %arg11[%add3A_10, %dma_wait3A_71] : memref<10240x32xf32, #tpu.memory_space<vmem_shared>> -> memref<128x32xf32, #tpu.memory_space<vmem_shared>>
      tpu.wait_dma2 semaphore(%run_scoped3A_64 : memref<!tpu.dma_semaphore, #tpu.memory_space<semaphore_mem>>) src(%arg10 : memref<128x32xf32, #tpu.memory_space<vmem>>) dst(%dma_wait3A_72 : memref<128x32xf32, #tpu.memory_space<vmem_shared>>)
      tpu.yield
    }) : () -> ()
    %add3A_11 = arith.constant 384 : i32
    %add3A_12 = arith.addi %mul3A_5, %add3A_11 : i32
    "tpu.region"() ({
      %run_scoped3A_64 = tpu.sem_alloc : memref<!tpu.dma_semaphore, #tpu.memory_space<semaphore_mem>>
      %dma_start3A_65 = arith.constant 0 : i32
      %dma_start3A_66 = tpu.memref_slice %arg11[%add3A_12, %dma_start3A_65] : memref<10240x32xf32, #tpu.memory_space<vmem_shared>> -> memref<128x32xf32, #tpu.memory_space<vmem_shared>>
      %dma_start3A_67 = arith.constant 0 : i32
      %dma_start3A_68 = tpu.memref_slice %arg11[%add3A_12, %dma_start3A_67] : memref<10240x32xf32, #tpu.memory_space<vmem_shared>> -> memref<128x32xf32, #tpu.memory_space<vmem_shared>>
      tpu.enqueue_dma source(%arg10 : memref<128x32xf32, #tpu.memory_space<vmem>>) target(%dma_start3A_68 : memref<128x32xf32, #tpu.memory_space<vmem_shared>>) target_semaphore(%run_scoped3A_64 : memref<!tpu.dma_semaphore, #tpu.memory_space<semaphore_mem>>)
      %dma_wait3A_69 = arith.constant 0 : i32
      %dma_wait3A_70 = tpu.memref_slice %arg11[%add3A_12, %dma_wait3A_69] : memref<10240x32xf32, #tpu.memory_space<vmem_shared>> -> memref<128x32xf32, #tpu.memory_space<vmem_shared>>
      %dma_wait3A_71 = arith.constant 0 : i32
      %dma_wait3A_72 = tpu.memref_slice %arg11[%add3A_12, %dma_wait3A_71] : memref<10240x32xf32, #tpu.memory_space<vmem_shared>> -> memref<128x32xf32, #tpu.memory_space<vmem_shared>>
      tpu.wait_dma2 semaphore(%run_scoped3A_64 : memref<!tpu.dma_semaphore, #tpu.memory_space<semaphore_mem>>) src(%arg10 : memref<128x32xf32, #tpu.memory_space<vmem>>) dst(%dma_wait3A_72 : memref<128x32xf32, #tpu.memory_space<vmem_shared>>)
      tpu.yield
    }) : () -> ()
    %add3A_13 = arith.constant 512 : i32
    %add3A_14 = arith.addi %mul3A_5, %add3A_13 : i32
    "tpu.region"() ({
      %run_scoped3A_64 = tpu.sem_alloc : memref<!tpu.dma_semaphore, #tpu.memory_space<semaphore_mem>>
      %dma_start3A_65 = arith.constant 0 : i32
      %dma_start3A_66 = tpu.memref_slice %arg11[%add3A_14, %dma_start3A_65] : memref<10240x32xf32, #tpu.memory_space<vmem_shared>> -> memref<128x32xf32, #tpu.memory_space<vmem_shared>>
      %dma_start3A_67 = arith.constant 0 : i32
      %dma_start3A_68 = tpu.memref_slice %arg11[%add3A_14, %dma_start3A_67] : memref<10240x32xf32, #tpu.memory_space<vmem_shared>> -> memref<128x32xf32, #tpu.memory_space<vmem_shared>>
      tpu.enqueue_dma source(%arg10 : memref<128x32xf32, #tpu.memory_space<vmem>>) target(%dma_start3A_68 : memref<128x32xf32, #tpu.memory_space<vmem_shared>>) target_semaphore(%run_scoped3A_64 : memref<!tpu.dma_semaphore, #tpu.memory_space<semaphore_mem>>)
      %dma_wait3A_69 = arith.constant 0 : i32
      %dma_wait3A_70 = tpu.memref_slice %arg11[%add3A_14, %dma_wait3A_69] : memref<10240x32xf32, #tpu.memory_space<vmem_shared>> -> memref<128x32xf32, #tpu.memory_space<vmem_shared>>
      %dma_wait3A_71 = arith.constant 0 : i32
      %dma_wait3A_72 = tpu.memref_slice %arg11[%add3A_14, %dma_wait3A_71] : memref<10240x32xf32, #tpu.memory_space<vmem_shared>> -> memref<128x32xf32, #tpu.memory_space<vmem_shared>>
      tpu.wait_dma2 semaphore(%run_scoped3A_64 : memref<!tpu.dma_semaphore, #tpu.memory_space<semaphore_mem>>) src(%arg10 : memref<128x32xf32, #tpu.memory_space<vmem>>) dst(%dma_wait3A_72 : memref<128x32xf32, #tpu.memory_space<vmem_shared>>)
      tpu.yield
    }) : () -> ()
    "tpu.region"() ({
      %run_scoped3A_64 = tpu.sem_alloc : memref<!tpu.dma_semaphore, #tpu.memory_space<semaphore_mem>>
      %dma_start3A_65 = arith.constant 0 : i32
      %dma_start3A_66 = arith.constant 0 : i32
      %dma_start3A_67 = tpu.memref_slice %arg3[%arg1, %dma_start3A_65, %dma_start3A_66] : memref<16x158x128xi32, #tpu.memory_space<hbm>> -> memref<1x158x128xi32, #tpu.memory_space<hbm>>
      %dma_start3A_68 = tpu.memref_squeeze %dma_start3A_67 : memref<1x158x128xi32, #tpu.memory_space<hbm>> -> memref<158x128xi32, #tpu.memory_space<hbm>>
      %dma_start3A_69 = arith.constant 0 : i32
      %dma_start3A_70 = arith.constant 0 : i32
      %dma_start3A_71 = tpu.memref_slice %arg3[%arg1, %dma_start3A_69, %dma_start3A_70] : memref<16x158x128xi32, #tpu.memory_space<hbm>> -> memref<1x158x128xi32, #tpu.memory_space<hbm>>
      %dma_start3A_72 = tpu.memref_squeeze %dma_start3A_71 : memref<1x158x128xi32, #tpu.memory_space<hbm>> -> memref<158x128xi32, #tpu.memory_space<hbm>>
      tpu.enqueue_dma source(%dma_start3A_72 : memref<158x128xi32, #tpu.memory_space<hbm>>) target(%arg6 : memref<158x128xi32, #tpu.memory_space<vmem>>) target_semaphore(%run_scoped3A_64 : memref<!tpu.dma_semaphore, #tpu.memory_space<semaphore_mem>>)
      %dma_wait3A_73 = arith.constant 0 : i32
      %dma_wait3A_74 = arith.constant 0 : i32
      %dma_wait3A_75 = tpu.memref_slice %arg3[%arg1, %dma_wait3A_73, %dma_wait3A_74] : memref<16x158x128xi32, #tpu.memory_space<hbm>> -> memref<1x158x128xi32, #tpu.memory_space<hbm>>
      %dma_wait3A_76 = tpu.memref_squeeze %dma_wait3A_75 : memref<1x158x128xi32, #tpu.memory_space<hbm>> -> memref<158x128xi32, #tpu.memory_space<hbm>>
      %dma_wait3A_77 = arith.constant 0 : i32
      %dma_wait3A_78 = arith.constant 0 : i32
      %dma_wait3A_79 = tpu.memref_slice %arg3[%arg1, %dma_wait3A_77, %dma_wait3A_78] : memref<16x158x128xi32, #tpu.memory_space<hbm>> -> memref<1x158x128xi32, #tpu.memory_space<hbm>>
      %dma_wait3A_80 = tpu.memref_squeeze %dma_wait3A_79 : memref<1x158x128xi32, #tpu.memory_space<hbm>> -> memref<158x128xi32, #tpu.memory_space<hbm>>
      tpu.wait_dma2 semaphore(%run_scoped3A_64 : memref<!tpu.dma_semaphore, #tpu.memory_space<semaphore_mem>>) src(%dma_wait3A_80 : memref<158x128xi32, #tpu.memory_space<hbm>>) dst(%arg6 : memref<158x128xi32, #tpu.memory_space<vmem>>)
      tpu.yield
    }) : () -> ()
    "tpu.region"() ({
      %run_scoped3A_64 = tpu.sem_alloc : memref<!tpu.dma_semaphore, #tpu.memory_space<semaphore_mem>>
      %dma_start3A_65 = arith.constant 0 : i32
      %dma_start3A_66 = arith.constant 0 : i32
      %dma_start3A_67 = tpu.memref_slice %arg4[%arg1, %dma_start3A_65, %dma_start3A_66] : memref<16x158x128xi32, #tpu.memory_space<hbm>> -> memref<1x158x128xi32, #tpu.memory_space<hbm>>
      %dma_start3A_68 = tpu.memref_squeeze %dma_start3A_67 : memref<1x158x128xi32, #tpu.memory_space<hbm>> -> memref<158x128xi32, #tpu.memory_space<hbm>>
      %dma_start3A_69 = arith.constant 0 : i32
      %dma_start3A_70 = arith.constant 0 : i32
      %dma_start3A_71 = tpu.memref_slice %arg4[%arg1, %dma_start3A_69, %dma_start3A_70] : memref<16x158x128xi32, #tpu.memory_space<hbm>> -> memref<1x158x128xi32, #tpu.memory_space<hbm>>
      %dma_start3A_72 = tpu.memref_squeeze %dma_start3A_71 : memref<1x158x128xi32, #tpu.memory_space<hbm>> -> memref<158x128xi32, #tpu.memory_space<hbm>>
      tpu.enqueue_dma source(%dma_start3A_72 : memref<158x128xi32, #tpu.memory_space<hbm>>) target(%arg7 : memref<158x128xi32, #tpu.memory_space<vmem>>) target_semaphore(%run_scoped3A_64 : memref<!tpu.dma_semaphore, #tpu.memory_space<semaphore_mem>>)
      %dma_wait3A_73 = arith.constant 0 : i32
      %dma_wait3A_74 = arith.constant 0 : i32
      %dma_wait3A_75 = tpu.memref_slice %arg4[%arg1, %dma_wait3A_73, %dma_wait3A_74] : memref<16x158x128xi32, #tpu.memory_space<hbm>> -> memref<1x158x128xi32, #tpu.memory_space<hbm>>
      %dma_wait3A_76 = tpu.memref_squeeze %dma_wait3A_75 : memref<1x158x128xi32, #tpu.memory_space<hbm>> -> memref<158x128xi32, #tpu.memory_space<hbm>>
      %dma_wait3A_77 = arith.constant 0 : i32
      %dma_wait3A_78 = arith.constant 0 : i32
      %dma_wait3A_79 = tpu.memref_slice %arg4[%arg1, %dma_wait3A_77, %dma_wait3A_78] : memref<16x158x128xi32, #tpu.memory_space<hbm>> -> memref<1x158x128xi32, #tpu.memory_space<hbm>>
      %dma_wait3A_80 = tpu.memref_squeeze %dma_wait3A_79 : memref<1x158x128xi32, #tpu.memory_space<hbm>> -> memref<158x128xi32, #tpu.memory_space<hbm>>
      tpu.wait_dma2 semaphore(%run_scoped3A_64 : memref<!tpu.dma_semaphore, #tpu.memory_space<semaphore_mem>>) src(%dma_wait3A_80 : memref<158x128xi32, #tpu.memory_space<hbm>>) dst(%arg7 : memref<158x128xi32, #tpu.memory_space<vmem>>)
      tpu.yield
    }) : () -> ()
    %barrier3A = arith.constant 0 : index
    tpu.barrier barrier_id(%barrier3A)
    %dma_start3A = arith.constant 0 : i32
    %dma_start3A_15 = arith.constant 0 : i32
    %dma_start3A_16 = tpu.memref_slice %arg6[%dma_start3A, %dma_start3A_15] : memref<158x128xi32, #tpu.memory_space<vmem>> -> memref<1x128xi32, #tpu.memory_space<vmem>>
    %dma_start3A_17 = tpu.memref_squeeze %dma_start3A_16 : memref<1x128xi32, #tpu.memory_space<vmem>> -> memref<128xi32, #tpu.memory_space<vmem>>
    %dma_start3A_18 = arith.constant 0 : i32
    %dma_start3A_19 = arith.constant 0 : i32
    %dma_start3A_20 = tpu.memref_slice %arg2[%arg0, %dma_start3A_18, %dma_start3A_19] : memref<2x10240x32xf32, #tpu.memory_space<hbm>> -> memref<1x10240x32xf32, #tpu.memory_space<hbm>>
    %dma_start3A_21 = tpu.memref_squeeze %dma_start3A_20 : memref<1x10240x32xf32, #tpu.memory_space<hbm>> -> memref<10240x32xf32, #tpu.memory_space<hbm>>
    %dma_start3A_22 = arith.constant 0 : i32
    %dma_start3A_23 = arith.constant 0 : i32
    %dma_start3A_24 = tpu.memref_slice %dma_start3A_21[%dma_start3A_22, %dma_start3A_23] : memref<10240x32xf32, #tpu.memory_space<hbm>> -> memref<10240x32xf32, #tpu.memory_space<hbm>>
    tpu.enqueue_indirect_dma source(%dma_start3A_24 : memref<10240x32xf32, #tpu.memory_space<hbm>>) target(%arg8 : memref<128x32xf32, #tpu.memory_space<vmem>>) offsets(%dma_start3A_17 : memref<128xi32, #tpu.memory_space<vmem>>) semaphore(%arg12 : memref<!tpu.dma_semaphore, #tpu.memory_space<semaphore_mem>>)
    %dma_start3A_25 = arith.constant 1 : i32
    %dma_start3A_26 = arith.constant 0 : i32
    %dma_start3A_27 = tpu.memref_slice %arg6[%dma_start3A_25, %dma_start3A_26] : memref<158x128xi32, #tpu.memory_space<vmem>> -> memref<1x128xi32, #tpu.memory_space<vmem>>
    %dma_start3A_28 = tpu.memref_squeeze %dma_start3A_27 : memref<1x128xi32, #tpu.memory_space<vmem>> -> memref<128xi32, #tpu.memory_space<vmem>>
    %dma_start3A_29 = arith.constant 0 : i32
    %dma_start3A_30 = arith.constant 0 : i32
    %dma_start3A_31 = tpu.memref_slice %arg2[%arg0, %dma_start3A_29, %dma_start3A_30] : memref<2x10240x32xf32, #tpu.memory_space<hbm>> -> memref<1x10240x32xf32, #tpu.memory_space<hbm>>
    %dma_start3A_32 = tpu.memref_squeeze %dma_start3A_31 : memref<1x10240x32xf32, #tpu.memory_space<hbm>> -> memref<10240x32xf32, #tpu.memory_space<hbm>>
    %dma_start3A_33 = arith.constant 0 : i32
    %dma_start3A_34 = arith.constant 0 : i32
    %dma_start3A_35 = tpu.memref_slice %dma_start3A_32[%dma_start3A_33, %dma_start3A_34] : memref<10240x32xf32, #tpu.memory_space<hbm>> -> memref<10240x32xf32, #tpu.memory_space<hbm>>
    tpu.enqueue_indirect_dma source(%dma_start3A_35 : memref<10240x32xf32, #tpu.memory_space<hbm>>) target(%arg9 : memref<128x32xf32, #tpu.memory_space<vmem>>) offsets(%dma_start3A_28 : memref<128xi32, #tpu.memory_space<vmem>>) semaphore(%arg13 : memref<!tpu.dma_semaphore, #tpu.memory_space<semaphore_mem>>)
    %scan3A_36 = arith.constant 0 : i32
    %scan3A_37 = arith.constant 78 : i32
    %scan3A_38 = arith.addi %scan3A_36, %scan3A_37 : i32
    %scan3A_39 = arith.constant 1 : i32
    scf.for %scan3A_64 = %scan3A_36 to %scan3A_38 step %scan3A_39  : i32 {
      %mul3A_65 = arith.constant 2 : i32
      %mul3A_66 = arith.muli %scan3A_64, %mul3A_65 : i32
      %add3A_67 = arith.constant 0 : i32
      %add3A_68 = arith.addi %add3A_67, %mul3A_66 : i32
      %dma_wait3A_69 = arith.constant 0 : i32
      %dma_wait3A_70 = tpu.memref_slice %arg6[%add3A_68, %dma_wait3A_69] : memref<158x128xi32, #tpu.memory_space<vmem>> -> memref<1x128xi32, #tpu.memory_space<vmem>>
      %dma_wait3A_71 = tpu.memref_squeeze %dma_wait3A_70 : memref<1x128xi32, #tpu.memory_space<vmem>> -> memref<128xi32, #tpu.memory_space<vmem>>
      %dma_wait3A_72 = arith.constant 0 : i32
      %dma_wait3A_73 = arith.constant 0 : i32
      %dma_wait3A_74 = tpu.memref_slice %arg2[%arg0, %dma_wait3A_72, %dma_wait3A_73] : memref<2x10240x32xf32, #tpu.memory_space<hbm>> -> memref<1x10240x32xf32, #tpu.memory_space<hbm>>
      %dma_wait3A_75 = tpu.memref_squeeze %dma_wait3A_74 : memref<1x10240x32xf32, #tpu.memory_space<hbm>> -> memref<10240x32xf32, #tpu.memory_space<hbm>>
      %dma_wait3A_76 = arith.constant 0 : i32
      %dma_wait3A_77 = arith.constant 0 : i32
      %dma_wait3A_78 = tpu.memref_slice %dma_wait3A_75[%dma_wait3A_76, %dma_wait3A_77] : memref<10240x32xf32, #tpu.memory_space<hbm>> -> memref<10240x32xf32, #tpu.memory_space<hbm>>
      tpu.wait_indirect_dma semaphore(%arg12 : memref<!tpu.dma_semaphore, #tpu.memory_space<semaphore_mem>>) src(%dma_wait3A_78 : memref<10240x32xf32, #tpu.memory_space<hbm>>) dst(%arg8 : memref<128x32xf32, #tpu.memory_space<vmem>>)
      "tpu.region"() ({
        %run_scoped3A_117 = tpu.sem_alloc : memref<!tpu.dma_semaphore, #tpu.memory_space<semaphore_mem>>
        %dma_start3A_118 = arith.constant 0 : i32
        %dma_start3A_119 = tpu.memref_slice %arg7[%add3A_68, %dma_start3A_118] : memref<158x128xi32, #tpu.memory_space<vmem>> -> memref<1x128xi32, #tpu.memory_space<vmem>>
        %dma_start3A_120 = tpu.memref_squeeze %dma_start3A_119 : memref<1x128xi32, #tpu.memory_space<vmem>> -> memref<128xi32, #tpu.memory_space<vmem>>
        %dma_start3A_121 = arith.constant 0 : i32
        %dma_start3A_122 = arith.constant 0 : i32
        %dma_start3A_123 = tpu.memref_slice %arg11[%dma_start3A_121, %dma_start3A_122] : memref<10240x32xf32, #tpu.memory_space<vmem_shared>> -> memref<10240x32xf32, #tpu.memory_space<vmem_shared>>
        tpu.enqueue_indirect_dma source(%arg8 : memref<128x32xf32, #tpu.memory_space<vmem>>) target(%dma_start3A_123 : memref<10240x32xf32, #tpu.memory_space<vmem_shared>>) offsets(%dma_start3A_120 : memref<128xi32, #tpu.memory_space<vmem>>) semaphore(%run_scoped3A_117 : memref<!tpu.dma_semaphore, #tpu.memory_space<semaphore_mem>>) {add = true}
        %dma_wait3A_124 = arith.constant 0 : i32
        %dma_wait3A_125 = tpu.memref_slice %arg7[%add3A_68, %dma_wait3A_124] : memref<158x128xi32, #tpu.memory_space<vmem>> -> memref<1x128xi32, #tpu.memory_space<vmem>>
        %dma_wait3A_126 = tpu.memref_squeeze %dma_wait3A_125 : memref<1x128xi32, #tpu.memory_space<vmem>> -> memref<128xi32, #tpu.memory_space<vmem>>
        %dma_wait3A_127 = arith.constant 0 : i32
        %dma_wait3A_128 = arith.constant 0 : i32
        %dma_wait3A_129 = tpu.memref_slice %arg11[%dma_wait3A_127, %dma_wait3A_128] : memref<10240x32xf32, #tpu.memory_space<vmem_shared>> -> memref<10240x32xf32, #tpu.memory_space<vmem_shared>>
        tpu.wait_indirect_dma semaphore(%run_scoped3A_117 : memref<!tpu.dma_semaphore, #tpu.memory_space<semaphore_mem>>) src(%arg8 : memref<128x32xf32, #tpu.memory_space<vmem>>) dst(%dma_wait3A_129 : memref<10240x32xf32, #tpu.memory_space<vmem_shared>>)
        tpu.yield
      }) : () -> ()
      %add3A_79 = arith.constant 2 : i32
      %add3A_80 = arith.addi %add3A_68, %add3A_79 : i32
      %dma_start3A_81 = arith.constant 0 : i32
      %dma_start3A_82 = tpu.memref_slice %arg6[%add3A_80, %dma_start3A_81] : memref<158x128xi32, #tpu.memory_space<vmem>> -> memref<1x128xi32, #tpu.memory_space<vmem>>
      %dma_start3A_83 = tpu.memref_squeeze %dma_start3A_82 : memref<1x128xi32, #tpu.memory_space<vmem>> -> memref<128xi32, #tpu.memory_space<vmem>>
      %dma_start3A_84 = arith.constant 0 : i32
      %dma_start3A_85 = arith.constant 0 : i32
      %dma_start3A_86 = tpu.memref_slice %arg2[%arg0, %dma_start3A_84, %dma_start3A_85] : memref<2x10240x32xf32, #tpu.memory_space<hbm>> -> memref<1x10240x32xf32, #tpu.memory_space<hbm>>
      %dma_start3A_87 = tpu.memref_squeeze %dma_start3A_86 : memref<1x10240x32xf32, #tpu.memory_space<hbm>> -> memref<10240x32xf32, #tpu.memory_space<hbm>>
      %dma_start3A_88 = arith.constant 0 : i32
      %dma_start3A_89 = arith.constant 0 : i32
      %dma_start3A_90 = tpu.memref_slice %dma_start3A_87[%dma_start3A_88, %dma_start3A_89] : memref<10240x32xf32, #tpu.memory_space<hbm>> -> memref<10240x32xf32, #tpu.memory_space<hbm>>
      tpu.enqueue_indirect_dma source(%dma_start3A_90 : memref<10240x32xf32, #tpu.memory_space<hbm>>) target(%arg8 : memref<128x32xf32, #tpu.memory_space<vmem>>) offsets(%dma_start3A_83 : memref<128xi32, #tpu.memory_space<vmem>>) semaphore(%arg12 : memref<!tpu.dma_semaphore, #tpu.memory_space<semaphore_mem>>)
      %add3A_91 = arith.constant 1 : i32
      %add3A_92 = arith.addi %add3A_68, %add3A_91 : i32
      %dma_wait3A_93 = arith.constant 0 : i32
      %dma_wait3A_94 = tpu.memref_slice %arg6[%add3A_92, %dma_wait3A_93] : memref<158x128xi32, #tpu.memory_space<vmem>> -> memref<1x128xi32, #tpu.memory_space<vmem>>
      %dma_wait3A_95 = tpu.memref_squeeze %dma_wait3A_94 : memref<1x128xi32, #tpu.memory_space<vmem>> -> memref<128xi32, #tpu.memory_space<vmem>>
      %dma_wait3A_96 = arith.constant 0 : i32
      %dma_wait3A_97 = arith.constant 0 : i32
      %dma_wait3A_98 = tpu.memref_slice %arg2[%arg0, %dma_wait3A_96, %dma_wait3A_97] : memref<2x10240x32xf32, #tpu.memory_space<hbm>> -> memref<1x10240x32xf32, #tpu.memory_space<hbm>>
      %dma_wait3A_99 = tpu.memref_squeeze %dma_wait3A_98 : memref<1x10240x32xf32, #tpu.memory_space<hbm>> -> memref<10240x32xf32, #tpu.memory_space<hbm>>
      %dma_wait3A_100 = arith.constant 0 : i32
      %dma_wait3A_101 = arith.constant 0 : i32
      %dma_wait3A_102 = tpu.memref_slice %dma_wait3A_99[%dma_wait3A_100, %dma_wait3A_101] : memref<10240x32xf32, #tpu.memory_space<hbm>> -> memref<10240x32xf32, #tpu.memory_space<hbm>>
      tpu.wait_indirect_dma semaphore(%arg13 : memref<!tpu.dma_semaphore, #tpu.memory_space<semaphore_mem>>) src(%dma_wait3A_102 : memref<10240x32xf32, #tpu.memory_space<hbm>>) dst(%arg9 : memref<128x32xf32, #tpu.memory_space<vmem>>)
      %add3A_103 = arith.constant 1 : i32
      %add3A_104 = arith.addi %add3A_68, %add3A_103 : i32
      "tpu.region"() ({
        %run_scoped3A_117 = tpu.sem_alloc : memref<!tpu.dma_semaphore, #tpu.memory_space<semaphore_mem>>
        %dma_start3A_118 = arith.constant 0 : i32
        %dma_start3A_119 = tpu.memref_slice %arg7[%add3A_104, %dma_start3A_118] : memref<158x128xi32, #tpu.memory_space<vmem>> -> memref<1x128xi32, #tpu.memory_space<vmem>>
        %dma_start3A_120 = tpu.memref_squeeze %dma_start3A_119 : memref<1x128xi32, #tpu.memory_space<vmem>> -> memref<128xi32, #tpu.memory_space<vmem>>
        %dma_start3A_121 = arith.constant 0 : i32
        %dma_start3A_122 = arith.constant 0 : i32
        %dma_start3A_123 = tpu.memref_slice %arg11[%dma_start3A_121, %dma_start3A_122] : memref<10240x32xf32, #tpu.memory_space<vmem_shared>> -> memref<10240x32xf32, #tpu.memory_space<vmem_shared>>
        tpu.enqueue_indirect_dma source(%arg9 : memref<128x32xf32, #tpu.memory_space<vmem>>) target(%dma_start3A_123 : memref<10240x32xf32, #tpu.memory_space<vmem_shared>>) offsets(%dma_start3A_120 : memref<128xi32, #tpu.memory_space<vmem>>) semaphore(%run_scoped3A_117 : memref<!tpu.dma_semaphore, #tpu.memory_space<semaphore_mem>>) {add = true}
        %dma_wait3A_124 = arith.constant 0 : i32
        %dma_wait3A_125 = tpu.memref_slice %arg7[%add3A_104, %dma_wait3A_124] : memref<158x128xi32, #tpu.memory_space<vmem>> -> memref<1x128xi32, #tpu.memory_space<vmem>>
        %dma_wait3A_126 = tpu.memref_squeeze %dma_wait3A_125 : memref<1x128xi32, #tpu.memory_space<vmem>> -> memref<128xi32, #tpu.memory_space<vmem>>
        %dma_wait3A_127 = arith.constant 0 : i32
        %dma_wait3A_128 = arith.constant 0 : i32
        %dma_wait3A_129 = tpu.memref_slice %arg11[%dma_wait3A_127, %dma_wait3A_128] : memref<10240x32xf32, #tpu.memory_space<vmem_shared>> -> memref<10240x32xf32, #tpu.memory_space<vmem_shared>>
        tpu.wait_indirect_dma semaphore(%run_scoped3A_117 : memref<!tpu.dma_semaphore, #tpu.memory_space<semaphore_mem>>) src(%arg9 : memref<128x32xf32, #tpu.memory_space<vmem>>) dst(%dma_wait3A_129 : memref<10240x32xf32, #tpu.memory_space<vmem_shared>>)
        tpu.yield
      }) : () -> ()
      %add3A_105 = arith.constant 3 : i32
      %add3A_106 = arith.addi %add3A_68, %add3A_105 : i32
      %dma_start3A_107 = arith.constant 0 : i32
      %dma_start3A_108 = tpu.memref_slice %arg6[%add3A_106, %dma_start3A_107] : memref<158x128xi32, #tpu.memory_space<vmem>> -> memref<1x128xi32, #tpu.memory_space<vmem>>
      %dma_start3A_109 = tpu.memref_squeeze %dma_start3A_108 : memref<1x128xi32, #tpu.memory_space<vmem>> -> memref<128xi32, #tpu.memory_space<vmem>>
      %dma_start3A_110 = arith.constant 0 : i32
      %dma_start3A_111 = arith.constant 0 : i32
      %dma_start3A_112 = tpu.memref_slice %arg2[%arg0, %dma_start3A_110, %dma_start3A_111] : memref<2x10240x32xf32, #tpu.memory_space<hbm>> -> memref<1x10240x32xf32, #tpu.memory_space<hbm>>
      %dma_start3A_113 = tpu.memref_squeeze %dma_start3A_112 : memref<1x10240x32xf32, #tpu.memory_space<hbm>> -> memref<10240x32xf32, #tpu.memory_space<hbm>>
      %dma_start3A_114 = arith.constant 0 : i32
      %dma_start3A_115 = arith.constant 0 : i32
      %dma_start3A_116 = tpu.memref_slice %dma_start3A_113[%dma_start3A_114, %dma_start3A_115] : memref<10240x32xf32, #tpu.memory_space<hbm>> -> memref<10240x32xf32, #tpu.memory_space<hbm>>
      tpu.enqueue_indirect_dma source(%dma_start3A_116 : memref<10240x32xf32, #tpu.memory_space<hbm>>) target(%arg9 : memref<128x32xf32, #tpu.memory_space<vmem>>) offsets(%dma_start3A_109 : memref<128xi32, #tpu.memory_space<vmem>>) semaphore(%arg13 : memref<!tpu.dma_semaphore, #tpu.memory_space<semaphore_mem>>)
    }
    %scan3A_40 = arith.constant 78 : i32
    %dma_wait3A = arith.constant 156 : i32
    %dma_wait3A_41 = arith.constant 0 : i32
    %dma_wait3A_42 = tpu.memref_slice %arg6[%dma_wait3A, %dma_wait3A_41] : memref<158x128xi32, #tpu.memory_space<vmem>> -> memref<1x128xi32, #tpu.memory_space<vmem>>
    %dma_wait3A_43 = tpu.memref_squeeze %dma_wait3A_42 : memref<1x128xi32, #tpu.memory_space<vmem>> -> memref<128xi32, #tpu.memory_space<vmem>>
    %dma_wait3A_44 = arith.constant 0 : i32
    %dma_wait3A_45 = arith.constant 0 : i32
    %dma_wait3A_46 = tpu.memref_slice %arg2[%arg0, %dma_wait3A_44, %dma_wait3A_45] : memref<2x10240x32xf32, #tpu.memory_space<hbm>> -> memref<1x10240x32xf32, #tpu.memory_space<hbm>>
    %dma_wait3A_47 = tpu.memref_squeeze %dma_wait3A_46 : memref<1x10240x32xf32, #tpu.memory_space<hbm>> -> memref<10240x32xf32, #tpu.memory_space<hbm>>
    %dma_wait3A_48 = arith.constant 0 : i32
    %dma_wait3A_49 = arith.constant 0 : i32
    %dma_wait3A_50 = tpu.memref_slice %dma_wait3A_47[%dma_wait3A_48, %dma_wait3A_49] : memref<10240x32xf32, #tpu.memory_space<hbm>> -> memref<10240x32xf32, #tpu.memory_space<hbm>>
    tpu.wait_indirect_dma semaphore(%arg12 : memref<!tpu.dma_semaphore, #tpu.memory_space<semaphore_mem>>) src(%dma_wait3A_50 : memref<10240x32xf32, #tpu.memory_space<hbm>>) dst(%arg8 : memref<128x32xf32, #tpu.memory_space<vmem>>)
    %run_scoped3A = arith.constant 156 : i32
    "tpu.region"() ({
      %run_scoped3A_64 = tpu.sem_alloc : memref<!tpu.dma_semaphore, #tpu.memory_space<semaphore_mem>>
      %dma_start3A_65 = arith.constant 0 : i32
      %dma_start3A_66 = tpu.memref_slice %arg7[%run_scoped3A, %dma_start3A_65] : memref<158x128xi32, #tpu.memory_space<vmem>> -> memref<1x128xi32, #tpu.memory_space<vmem>>
      %dma_start3A_67 = tpu.memref_squeeze %dma_start3A_66 : memref<1x128xi32, #tpu.memory_space<vmem>> -> memref<128xi32, #tpu.memory_space<vmem>>
      %dma_start3A_68 = arith.constant 0 : i32
      %dma_start3A_69 = arith.constant 0 : i32
      %dma_start3A_70 = tpu.memref_slice %arg11[%dma_start3A_68, %dma_start3A_69] : memref<10240x32xf32, #tpu.memory_space<vmem_shared>> -> memref<10240x32xf32, #tpu.memory_space<vmem_shared>>
      tpu.enqueue_indirect_dma source(%arg8 : memref<128x32xf32, #tpu.memory_space<vmem>>) target(%dma_start3A_70 : memref<10240x32xf32, #tpu.memory_space<vmem_shared>>) offsets(%dma_start3A_67 : memref<128xi32, #tpu.memory_space<vmem>>) semaphore(%run_scoped3A_64 : memref<!tpu.dma_semaphore, #tpu.memory_space<semaphore_mem>>) {add = true}
      %dma_wait3A_71 = arith.constant 0 : i32
      %dma_wait3A_72 = tpu.memref_slice %arg7[%run_scoped3A, %dma_wait3A_71] : memref<158x128xi32, #tpu.memory_space<vmem>> -> memref<1x128xi32, #tpu.memory_space<vmem>>
      %dma_wait3A_73 = tpu.memref_squeeze %dma_wait3A_72 : memref<1x128xi32, #tpu.memory_space<vmem>> -> memref<128xi32, #tpu.memory_space<vmem>>
      %dma_wait3A_74 = arith.constant 0 : i32
      %dma_wait3A_75 = arith.constant 0 : i32
      %dma_wait3A_76 = tpu.memref_slice %arg11[%dma_wait3A_74, %dma_wait3A_75] : memref<10240x32xf32, #tpu.memory_space<vmem_shared>> -> memref<10240x32xf32, #tpu.memory_space<vmem_shared>>
      tpu.wait_indirect_dma semaphore(%run_scoped3A_64 : memref<!tpu.dma_semaphore, #tpu.memory_space<semaphore_mem>>) src(%arg8 : memref<128x32xf32, #tpu.memory_space<vmem>>) dst(%dma_wait3A_76 : memref<10240x32xf32, #tpu.memory_space<vmem_shared>>)
      tpu.yield
    }) : () -> ()
    %dma_wait3A_51 = arith.constant 157 : i32
    %dma_wait3A_52 = arith.constant 0 : i32
    %dma_wait3A_53 = tpu.memref_slice %arg6[%dma_wait3A_51, %dma_wait3A_52] : memref<158x128xi32, #tpu.memory_space<vmem>> -> memref<1x128xi32, #tpu.memory_space<vmem>>
    %dma_wait3A_54 = tpu.memref_squeeze %dma_wait3A_53 : memref<1x128xi32, #tpu.memory_space<vmem>> -> memref<128xi32, #tpu.memory_space<vmem>>
    %dma_wait3A_55 = arith.constant 0 : i32
    %dma_wait3A_56 = arith.constant 0 : i32
    %dma_wait3A_57 = tpu.memref_slice %arg2[%arg0, %dma_wait3A_55, %dma_wait3A_56] : memref<2x10240x32xf32, #tpu.memory_space<hbm>> -> memref<1x10240x32xf32, #tpu.memory_space<hbm>>
    %dma_wait3A_58 = tpu.memref_squeeze %dma_wait3A_57 : memref<1x10240x32xf32, #tpu.memory_space<hbm>> -> memref<10240x32xf32, #tpu.memory_space<hbm>>
    %dma_wait3A_59 = arith.constant 0 : i32
    %dma_wait3A_60 = arith.constant 0 : i32
    %dma_wait3A_61 = tpu.memref_slice %dma_wait3A_58[%dma_wait3A_59, %dma_wait3A_60] : memref<10240x32xf32, #tpu.memory_space<hbm>> -> memref<10240x32xf32, #tpu.memory_space<hbm>>
    tpu.wait_indirect_dma semaphore(%arg13 : memref<!tpu.dma_semaphore, #tpu.memory_space<semaphore_mem>>) src(%dma_wait3A_61 : memref<10240x32xf32, #tpu.memory_space<hbm>>) dst(%arg9 : memref<128x32xf32, #tpu.memory_space<vmem>>)
    %run_scoped3A_62 = arith.constant 157 : i32
    "tpu.region"() ({
      %run_scoped3A_64 = tpu.sem_alloc : memref<!tpu.dma_semaphore, #tpu.memory_space<semaphore_mem>>
      %dma_start3A_65 = arith.constant 0 : i32
      %dma_start3A_66 = tpu.memref_slice %arg7[%run_scoped3A_62, %dma_start3A_65] : memref<158x128xi32, #tpu.memory_space<vmem>> -> memref<1x128xi32, #tpu.memory_space<vmem>>
      %dma_start3A_67 = tpu.memref_squeeze %dma_start3A_66 : memref<1x128xi32, #tpu.memory_space<vmem>> -> memref<128xi32, #tpu.memory_space<vmem>>
      %dma_start3A_68 = arith.constant 0 : i32
      %dma_start3A_69 = arith.constant 0 : i32
      %dma_start3A_70 = tpu.memref_slice %arg11[%dma_start3A_68, %dma_start3A_69] : memref<10240x32xf32, #tpu.memory_space<vmem_shared>> -> memref<10240x32xf32, #tpu.memory_space<vmem_shared>>
      tpu.enqueue_indirect_dma source(%arg9 : memref<128x32xf32, #tpu.memory_space<vmem>>) target(%dma_start3A_70 : memref<10240x32xf32, #tpu.memory_space<vmem_shared>>) offsets(%dma_start3A_67 : memref<128xi32, #tpu.memory_space<vmem>>) semaphore(%run_scoped3A_64 : memref<!tpu.dma_semaphore, #tpu.memory_space<semaphore_mem>>) {add = true}
      %dma_wait3A_71 = arith.constant 0 : i32
      %dma_wait3A_72 = tpu.memref_slice %arg7[%run_scoped3A_62, %dma_wait3A_71] : memref<158x128xi32, #tpu.memory_space<vmem>> -> memref<1x128xi32, #tpu.memory_space<vmem>>
      %dma_wait3A_73 = tpu.memref_squeeze %dma_wait3A_72 : memref<1x128xi32, #tpu.memory_space<vmem>> -> memref<128xi32, #tpu.memory_space<vmem>>
      %dma_wait3A_74 = arith.constant 0 : i32
      %dma_wait3A_75 = arith.constant 0 : i32
      %dma_wait3A_76 = tpu.memref_slice %arg11[%dma_wait3A_74, %dma_wait3A_75] : memref<10240x32xf32, #tpu.memory_space<vmem_shared>> -> memref<10240x32xf32, #tpu.memory_space<vmem_shared>>
      tpu.wait_indirect_dma semaphore(%run_scoped3A_64 : memref<!tpu.dma_semaphore, #tpu.memory_space<semaphore_mem>>) src(%arg9 : memref<128x32xf32, #tpu.memory_space<vmem>>) dst(%dma_wait3A_76 : memref<10240x32xf32, #tpu.memory_space<vmem_shared>>)
      tpu.yield
    }) : () -> ()
    %barrier3A_63 = arith.constant 0 : index
    tpu.barrier barrier_id(%barrier3A_63)
    "tpu.region"() ({
      %run_scoped3A_64 = tpu.sem_alloc : memref<!tpu.dma_semaphore, #tpu.memory_space<semaphore_mem>>
      %dma_start3A_65 = arith.constant 0 : i32
      %dma_start3A_66 = tpu.memref_slice %arg5[%arg0, %mul3A_5, %dma_start3A_65] : memref<2x10240x32xf32, #tpu.memory_space<hbm>> -> memref<1x640x32xf32, #tpu.memory_space<hbm>>
      %dma_start3A_67 = tpu.memref_squeeze %dma_start3A_66 : memref<1x640x32xf32, #tpu.memory_space<hbm>> -> memref<640x32xf32, #tpu.memory_space<hbm>>
      %dma_start3A_68 = arith.constant 0 : i32
      %dma_start3A_69 = tpu.memref_slice %arg11[%mul3A_5, %dma_start3A_68] : memref<10240x32xf32, #tpu.memory_space<vmem_shared>> -> memref<640x32xf32, #tpu.memory_space<vmem_shared>>
      tpu.enqueue_dma source(%dma_start3A_69 : memref<640x32xf32, #tpu.memory_space<vmem_shared>>) target(%dma_start3A_67 : memref<640x32xf32, #tpu.memory_space<hbm>>) target_semaphore(%run_scoped3A_64 : memref<!tpu.dma_semaphore, #tpu.memory_space<semaphore_mem>>)
      %dma_wait3A_70 = arith.constant 0 : i32
      %dma_wait3A_71 = tpu.memref_slice %arg5[%arg0, %mul3A_5, %dma_wait3A_70] : memref<2x10240x32xf32, #tpu.memory_space<hbm>> -> memref<1x640x32xf32, #tpu.memory_space<hbm>>
      %dma_wait3A_72 = tpu.memref_squeeze %dma_wait3A_71 : memref<1x640x32xf32, #tpu.memory_space<hbm>> -> memref<640x32xf32, #tpu.memory_space<hbm>>
      %dma_wait3A_73 = arith.constant 0 : i32
      %dma_wait3A_74 = tpu.memref_slice %arg11[%mul3A_5, %dma_wait3A_73] : memref<10240x32xf32, #tpu.memory_space<vmem_shared>> -> memref<640x32xf32, #tpu.memory_space<vmem_shared>>
      tpu.wait_dma2 semaphore(%run_scoped3A_64 : memref<!tpu.dma_semaphore, #tpu.memory_space<semaphore_mem>>) src(%dma_wait3A_74 : memref<640x32xf32, #tpu.memory_space<vmem_shared>>) dst(%dma_wait3A_72 : memref<640x32xf32, #tpu.memory_space<hbm>>)
      tpu.yield
    }) : () -> ()
    return
  }
}

module attributes {stable_mosaic.version = 14 : i64} {
  func.func @body(%arg0: i32, %arg1: memref<2048x128xf32, #tpu.memory_space<vmem>>, %arg2: memref<128x128xf32, #tpu.memory_space<vmem>>, %arg3: memref<2048x128xf32, #tpu.memory_space<vmem>>) attributes {dimension_semantics = [#tpu.dimension_semantics<arbitrary>], iteration_bounds = array<i64: 5>, scalar_prefetch = 0 : i64, scratch_operands = 0 : i64, tpu.core_type = #tpu.core_type<tc>, window_params = [{transform_indices = @transform_0, window_bounds = array<i64: 2048, 128>}, {pipeline_mode = #tpu.pipeline_mode<synchronous>, transform_indices = @transform_1, window_bounds = array<i64: 128, 128>}, {transform_indices = @transform_2, window_bounds = array<i64: 2048, 128>}]} {
    %get3A = arith.constant 0 : index
    %get3A_0 = arith.constant 0 : index
    %get3A_1 = vector.load %arg1[%get3A, %get3A_0] : memref<2048x128xf32, #tpu.memory_space<vmem>>, vector<2048x128xf32>
    %get3A_2 = arith.constant 0 : index
    %get3A_3 = arith.constant 0 : index
    %get3A_4 = vector.load %arg2[%get3A_2, %get3A_3] : memref<128x128xf32, #tpu.memory_space<vmem>>, vector<128x128xf32>
    %dot_general3A = arith.constant dense<0.000000e+00> : vector<2048x128xf32>
    %dot_general3A_5 = tpu.matmul %get3A_1, %get3A_4, %dot_general3A {dimension_numbers = #tpu.dot_dimension_numbers<[1], [0], [0], [1], [0, 0, 1, 1], [], []>, transpose_lhs_hint = false} : vector<2048x128xf32>, vector<128x128xf32>, vector<2048x128xf32> -> vector<2048x128xf32>
    %swap3A = arith.constant 0 : index
    %swap3A_6 = arith.constant 0 : index
    %swap3A_7 = vector.load %arg3[%swap3A, %swap3A_6] : memref<2048x128xf32, #tpu.memory_space<vmem>>, vector<2048x128xf32>
    tpu.vector_store %arg3[%swap3A, %swap3A_6], %dot_general3A_5 {strides = array<i32>} : memref<2048x128xf32, #tpu.memory_space<vmem>>, vector<2048x128xf32>,
    return
  }
  func.func @transform_0(%arg0: i32) -> (i32, i32) {
    %c0_i32 = arith.constant 0 : i32
    %c0_i32_0 = arith.constant 0 : i32
    return %arg0, %c0_i32 : i32, i32
  }
  func.func @transform_1(%arg0: i32) -> (i32, i32) {
    %c0_i32 = arith.constant 0 : i32
    %c0_i32_0 = arith.constant 0 : i32
    %c0_i32_1 = arith.constant 0 : i32
    return %c0_i32, %c0_i32_0 : i32, i32
  }
  func.func @transform_2(%arg0: i32) -> (i32, i32) {
    %c0_i32 = arith.constant 0 : i32
    %c0_i32_0 = arith.constant 0 : i32
    return %arg0, %c0_i32 : i32, i32
  }
}

module attributes {stable_mosaic.version = 14 : i64} {
  func.func @body(%arg0: i32, %arg1: memref<2048x128xf32, #tpu.memory_space<vmem>>, %arg2: memref<2x2048x16xf32, #tpu.memory_space<vmem>>, %arg3: memref<2x2048x64xf32, #tpu.memory_space<vmem>>) attributes {dimension_semantics = [#tpu.dimension_semantics<arbitrary>], iteration_bounds = array<i64: 5>, scalar_prefetch = 0 : i64, scratch_operands = 0 : i64, tpu.core_type = #tpu.core_type<tc>, window_params = [{transform_indices = @transform_0, window_bounds = array<i64: 2048, 128>}, {transform_indices = @transform_1, window_bounds = array<i64: 2, 2048, 16>}, {transform_indices = @transform_2, window_bounds = array<i64: 2, 2048, 64>}]} {
    %get3A = arith.constant 0 : index
    %get3A_0 = arith.constant 0 : index
    %get3A_1 = vector.load %arg1[%get3A, %get3A_0] : memref<2048x128xf32, #tpu.memory_space<vmem>>, vector<2048x128xf32>
    %get3A_2 = arith.constant 0 : index
    %get3A_3 = arith.constant 0 : index
    %get3A_4 = arith.constant 0 : index
    %get3A_5 = vector.load %arg2[%get3A_2, %get3A_3, %get3A_4] : memref<2x2048x16xf32, #tpu.memory_space<vmem>>, vector<2x2048x16xf32>
    %slice3A = vector.extract_strided_slice %get3A_5 {offsets = [0, 0, 0], sizes = [1, 2048, 16], strides = [1, 1, 1]} : vector<2x2048x16xf32> to vector<1x2048x16xf32>
    %squeeze3A = vector.shape_cast %slice3A : vector<1x2048x16xf32> to vector<2048x16xf32>
    %slice3A_6 = vector.extract_strided_slice %get3A_5 {offsets = [1, 0, 0], sizes = [1, 2048, 16], strides = [1, 1, 1]} : vector<2x2048x16xf32> to vector<1x2048x16xf32>
    %squeeze3A_7 = vector.shape_cast %slice3A_6 : vector<1x2048x16xf32> to vector<2048x16xf32>
    %add3A = arith.addf %squeeze3A, %squeeze3A_7 : vector<2048x16xf32>
    %slice3A_8 = vector.extract_strided_slice %add3A {offsets = [0, 0], sizes = [2048, 1], strides = [1, 1]} : vector<2048x16xf32> to vector<2048x1xf32>
    %add3A_9 = arith.constant 1.000000e+00 : f32
    %add3A_10 = vector.broadcast %add3A_9 : f32 to vector<2048x1xf32>
    %add3A_11 = arith.addf %slice3A_8, %add3A_10 : vector<2048x1xf32>
    %rsqrt3A = math.rsqrt %add3A_11 : vector<2048x1xf32>
    %mul3A = vector.broadcast %rsqrt3A : vector<2048x1xf32> to vector<2048x128xf32>
    %mul3A_12 = arith.mulf %get3A_1, %mul3A : vector<2048x128xf32>
    %slice3A_13 = vector.extract_strided_slice %mul3A_12 {offsets = [0, 0], sizes = [2048, 64], strides = [1, 1]} : vector<2048x128xf32> to vector<2048x64xf32>
    %swap3A = arith.constant 0 : index
    %swap3A_14 = arith.constant 0 : index
    %swap3A_15 = arith.constant 0 : index
    %swap3A_16 = vector.load %arg3[%swap3A, %swap3A_14, %swap3A_15] : memref<2x2048x64xf32, #tpu.memory_space<vmem>>, vector<1x2048x64xf32>
    %swap3A_17 = vector.shape_cast %swap3A_16 : vector<1x2048x64xf32> to vector<2048x64xf32>
    %swap3A_18 = vector.shape_cast %slice3A_13 : vector<2048x64xf32> to vector<1x2048x64xf32>
    tpu.vector_store %arg3[%swap3A, %swap3A_14, %swap3A_15], %swap3A_18 {strides = array<i32>} : memref<2x2048x64xf32, #tpu.memory_space<vmem>>, vector<1x2048x64xf32>,
    %slice3A_19 = vector.extract_strided_slice %mul3A_12 {offsets = [0, 64], sizes = [2048, 64], strides = [1, 1]} : vector<2048x128xf32> to vector<2048x64xf32>
    %swap3A_20 = arith.constant 1 : index
    %swap3A_21 = arith.constant 0 : index
    %swap3A_22 = arith.constant 0 : index
    %swap3A_23 = vector.load %arg3[%swap3A_20, %swap3A_21, %swap3A_22] : memref<2x2048x64xf32, #tpu.memory_space<vmem>>, vector<1x2048x64xf32>
    %swap3A_24 = vector.shape_cast %swap3A_23 : vector<1x2048x64xf32> to vector<2048x64xf32>
    %swap3A_25 = vector.shape_cast %slice3A_19 : vector<2048x64xf32> to vector<1x2048x64xf32>
    tpu.vector_store %arg3[%swap3A_20, %swap3A_21, %swap3A_22], %swap3A_25 {strides = array<i32>} : memref<2x2048x64xf32, #tpu.memory_space<vmem>>, vector<1x2048x64xf32>,
    return
  }
  func.func @transform_0(%arg0: i32) -> (i32, i32) {
    %c0_i32 = arith.constant 0 : i32
    %c0_i32_0 = arith.constant 0 : i32
    return %arg0, %c0_i32 : i32, i32
  }
  func.func @transform_1(%arg0: i32) -> (i32, i32, i32) {
    %c0_i32 = arith.constant 0 : i32
    %c0_i32_0 = arith.constant 0 : i32
    %c0_i32_1 = arith.constant 0 : i32
    return %c0_i32, %arg0, %c0_i32_0 : i32, i32, i32
  }
  func.func @transform_2(%arg0: i32) -> (i32, i32, i32) {
    %c0_i32 = arith.constant 0 : i32
    %c0_i32_0 = arith.constant 0 : i32
    %c0_i32_1 = arith.constant 0 : i32
    return %c0_i32, %arg0, %c0_i32_0 : i32, i32, i32
  }
}

module attributes {stable_mosaic.version = 14 : i64} {
  func.func @body(%arg0: i32, %arg1: memref<2x2048x64xf32, #tpu.memory_space<vmem>>, %arg2: memref<2x2048x64xf32, #tpu.memory_space<vmem>>, %arg3: memref<2x2048x16xf32, #tpu.memory_space<vmem>>, %arg4: memref<1x128xf32, #tpu.memory_space<vmem>>, %arg5: memref<128x64xf32, #tpu.memory_space<vmem>>, %arg6: memref<2x2048x32xf32, #tpu.memory_space<vmem>>) attributes {dimension_semantics = [#tpu.dimension_semantics<arbitrary>], iteration_bounds = array<i64: 5>, scalar_prefetch = 0 : i64, scratch_operands = 0 : i64, tpu.core_type = #tpu.core_type<tc>, window_params = [{transform_indices = @transform_0, window_bounds = array<i64: 2, 2048, 64>}, {transform_indices = @transform_1, window_bounds = array<i64: 2, 2048, 64>}, {transform_indices = @transform_2, window_bounds = array<i64: 2, 2048, 16>}, {pipeline_mode = #tpu.pipeline_mode<synchronous>, transform_indices = @transform_3, window_bounds = array<i64: 1, 128>}, {pipeline_mode = #tpu.pipeline_mode<synchronous>, transform_indices = @transform_4, window_bounds = array<i64: 128, 64>}, {transform_indices = @transform_5, window_bounds = array<i64: 2, 2048, 32>}]} {
    %get3A = arith.constant 0 : index
    %get3A_0 = arith.constant 0 : index
    %get3A_1 = arith.constant 0 : index
    %get3A_2 = vector.load %arg3[%get3A, %get3A_0, %get3A_1] : memref<2x2048x16xf32, #tpu.memory_space<vmem>>, vector<2x2048x16xf32>
    %slice3A = vector.extract_strided_slice %get3A_2 {offsets = [0, 0, 0], sizes = [1, 2048, 16], strides = [1, 1, 1]} : vector<2x2048x16xf32> to vector<1x2048x16xf32>
    %squeeze3A = vector.shape_cast %slice3A : vector<1x2048x16xf32> to vector<2048x16xf32>
    %slice3A_3 = vector.extract_strided_slice %get3A_2 {offsets = [1, 0, 0], sizes = [1, 2048, 16], strides = [1, 1, 1]} : vector<2x2048x16xf32> to vector<1x2048x16xf32>
    %squeeze3A_4 = vector.shape_cast %slice3A_3 : vector<1x2048x16xf32> to vector<2048x16xf32>
    %add3A = arith.addf %squeeze3A, %squeeze3A_4 : vector<2048x16xf32>
    %slice3A_5 = vector.extract_strided_slice %add3A {offsets = [0, 0], sizes = [2048, 1], strides = [1, 1]} : vector<2048x16xf32> to vector<2048x1xf32>
    %add3A_6 = arith.constant 1.000000e+00 : f32
    %add3A_7 = vector.broadcast %add3A_6 : f32 to vector<2048x1xf32>
    %add3A_8 = arith.addf %slice3A_5, %add3A_7 : vector<2048x1xf32>
    %rsqrt3A = math.rsqrt %add3A_8 : vector<2048x1xf32>
    %get3A_9 = arith.constant 0 : index
    %get3A_10 = arith.constant 0 : index
    %get3A_11 = arith.constant 0 : index
    %get3A_12 = vector.load %arg1[%get3A_9, %get3A_10, %get3A_11] : memref<2x2048x64xf32, #tpu.memory_space<vmem>>, vector<1x2048x64xf32>
    %get3A_13 = vector.shape_cast %get3A_12 : vector<1x2048x64xf32> to vector<2048x64xf32>
    %get3A_14 = arith.constant 1 : index
    %get3A_15 = arith.constant 0 : index
    %get3A_16 = arith.constant 0 : index
    %get3A_17 = vector.load %arg1[%get3A_14, %get3A_15, %get3A_16] : memref<2x2048x64xf32, #tpu.memory_space<vmem>>, vector<1x2048x64xf32>
    %get3A_18 = vector.shape_cast %get3A_17 : vector<1x2048x64xf32> to vector<2048x64xf32>
    %concatenate3A = tpu.concatenate %get3A_13, %get3A_18 in 1 : vector<2048x64xf32>, vector<2048x64xf32> -> vector<2048x128xf32>
    %get3A_19 = arith.constant 0 : index
    %get3A_20 = arith.constant 0 : index
    %get3A_21 = arith.constant 0 : index
    %get3A_22 = vector.load %arg2[%get3A_19, %get3A_20, %get3A_21] : memref<2x2048x64xf32, #tpu.memory_space<vmem>>, vector<1x2048x64xf32>
    %get3A_23 = vector.shape_cast %get3A_22 : vector<1x2048x64xf32> to vector<2048x64xf32>
    %get3A_24 = arith.constant 1 : index
    %get3A_25 = arith.constant 0 : index
    %get3A_26 = arith.constant 0 : index
    %get3A_27 = vector.load %arg2[%get3A_24, %get3A_25, %get3A_26] : memref<2x2048x64xf32, #tpu.memory_space<vmem>>, vector<1x2048x64xf32>
    %get3A_28 = vector.shape_cast %get3A_27 : vector<1x2048x64xf32> to vector<2048x64xf32>
    %concatenate3A_29 = tpu.concatenate %get3A_23, %get3A_28 in 1 : vector<2048x64xf32>, vector<2048x64xf32> -> vector<2048x128xf32>
    %add3A_30 = arith.addf %concatenate3A, %concatenate3A_29 : vector<2048x128xf32>
    %mul3A = vector.broadcast %rsqrt3A : vector<2048x1xf32> to vector<2048x128xf32>
    %mul3A_31 = arith.mulf %add3A_30, %mul3A : vector<2048x128xf32>
    %get3A_32 = arith.constant 0 : index
    %get3A_33 = arith.constant 0 : index
    %get3A_34 = vector.load %arg4[%get3A_32, %get3A_33] : memref<1x128xf32, #tpu.memory_space<vmem>>, vector<1x128xf32>
    %add3A_35 = vector.broadcast %get3A_34 : vector<1x128xf32> to vector<2048x128xf32>
    %add3A_36 = arith.addf %mul3A_31, %add3A_35 : vector<2048x128xf32>
    %max3A = arith.constant 0.000000e+00 : f32
    %max3A_37 = vector.broadcast %max3A : f32 to vector<2048x128xf32>
    %max3A_38 = arith.maximumf %add3A_36, %max3A_37 : vector<2048x128xf32>
    %get3A_39 = arith.constant 0 : index
    %get3A_40 = arith.constant 0 : index
    %get3A_41 = vector.load %arg5[%get3A_39, %get3A_40] : memref<128x64xf32, #tpu.memory_space<vmem>>, vector<128x64xf32>
    %dot_general3A = arith.constant dense<0.000000e+00> : vector<2048x64xf32>
    %dot_general3A_42 = tpu.matmul %max3A_38, %get3A_41, %dot_general3A {dimension_numbers = #tpu.dot_dimension_numbers<[1], [0], [0], [1], [0, 0, 1, 1], [], []>, transpose_lhs_hint = false} : vector<2048x128xf32>, vector<128x64xf32>, vector<2048x64xf32> -> vector<2048x64xf32>
    %mul3A_43 = vector.broadcast %rsqrt3A : vector<2048x1xf32> to vector<2048x64xf32>
    %mul3A_44 = arith.mulf %dot_general3A_42, %mul3A_43 : vector<2048x64xf32>
    %slice3A_45 = vector.extract_strided_slice %mul3A_44 {offsets = [0, 0], sizes = [2048, 32], strides = [1, 1]} : vector<2048x64xf32> to vector<2048x32xf32>
    %swap3A = arith.constant 0 : index
    %swap3A_46 = arith.constant 0 : index
    %swap3A_47 = arith.constant 0 : index
    %swap3A_48 = vector.load %arg6[%swap3A, %swap3A_46, %swap3A_47] : memref<2x2048x32xf32, #tpu.memory_space<vmem>>, vector<1x2048x32xf32>
    %swap3A_49 = vector.shape_cast %swap3A_48 : vector<1x2048x32xf32> to vector<2048x32xf32>
    %swap3A_50 = vector.shape_cast %slice3A_45 : vector<2048x32xf32> to vector<1x2048x32xf32>
    tpu.vector_store %arg6[%swap3A, %swap3A_46, %swap3A_47], %swap3A_50 {strides = array<i32>} : memref<2x2048x32xf32, #tpu.memory_space<vmem>>, vector<1x2048x32xf32>,
    %slice3A_51 = vector.extract_strided_slice %mul3A_44 {offsets = [0, 32], sizes = [2048, 32], strides = [1, 1]} : vector<2048x64xf32> to vector<2048x32xf32>
    %swap3A_52 = arith.constant 1 : index
    %swap3A_53 = arith.constant 0 : index
    %swap3A_54 = arith.constant 0 : index
    %swap3A_55 = vector.load %arg6[%swap3A_52, %swap3A_53, %swap3A_54] : memref<2x2048x32xf32, #tpu.memory_space<vmem>>, vector<1x2048x32xf32>
    %swap3A_56 = vector.shape_cast %swap3A_55 : vector<1x2048x32xf32> to vector<2048x32xf32>
    %swap3A_57 = vector.shape_cast %slice3A_51 : vector<2048x32xf32> to vector<1x2048x32xf32>
    tpu.vector_store %arg6[%swap3A_52, %swap3A_53, %swap3A_54], %swap3A_57 {strides = array<i32>} : memref<2x2048x32xf32, #tpu.memory_space<vmem>>, vector<1x2048x32xf32>,
    return
  }
  func.func @transform_0(%arg0: i32) -> (i32, i32, i32) {
    %c0_i32 = arith.constant 0 : i32
    %c0_i32_0 = arith.constant 0 : i32
    %c0_i32_1 = arith.constant 0 : i32
    return %c0_i32, %arg0, %c0_i32_0 : i32, i32, i32
  }
  func.func @transform_1(%arg0: i32) -> (i32, i32, i32) {
    %c0_i32 = arith.constant 0 : i32
    %c0_i32_0 = arith.constant 0 : i32
    %c0_i32_1 = arith.constant 0 : i32
    return %c0_i32, %arg0, %c0_i32_0 : i32, i32, i32
  }
  func.func @transform_2(%arg0: i32) -> (i32, i32, i32) {
    %c0_i32 = arith.constant 0 : i32
    %c0_i32_0 = arith.constant 0 : i32
    %c0_i32_1 = arith.constant 0 : i32
    return %c0_i32, %arg0, %c0_i32_0 : i32, i32, i32
  }
  func.func @transform_3(%arg0: i32) -> (i32, i32) {
    %c0_i32 = arith.constant 0 : i32
    %c0_i32_0 = arith.constant 0 : i32
    %c0_i32_1 = arith.constant 0 : i32
    return %c0_i32, %c0_i32_0 : i32, i32
  }
  func.func @transform_4(%arg0: i32) -> (i32, i32) {
    %c0_i32 = arith.constant 0 : i32
    %c0_i32_0 = arith.constant 0 : i32
    %c0_i32_1 = arith.constant 0 : i32
    return %c0_i32, %c0_i32_0 : i32, i32
  }
  func.func @transform_5(%arg0: i32) -> (i32, i32, i32) {
    %c0_i32 = arith.constant 0 : i32
    %c0_i32_0 = arith.constant 0 : i32
    %c0_i32_1 = arith.constant 0 : i32
    return %c0_i32, %arg0, %c0_i32_0 : i32, i32, i32
  }
}

module attributes {stable_mosaic.version = 14 : i64} {
  func.func @body(%arg0: i32, %arg1: memref<2x2048x32xf32, #tpu.memory_space<vmem>>, %arg2: memref<2x2048x32xf32, #tpu.memory_space<vmem>>, %arg3: memref<2x2048x16xf32, #tpu.memory_space<vmem>>, %arg4: memref<1x64xf32, #tpu.memory_space<vmem>>, %arg5: memref<2048x64xf32, #tpu.memory_space<vmem>>) attributes {dimension_semantics = [#tpu.dimension_semantics<arbitrary>], iteration_bounds = array<i64: 5>, scalar_prefetch = 0 : i64, scratch_operands = 0 : i64, tpu.core_type = #tpu.core_type<tc>, window_params = [{transform_indices = @transform_0, window_bounds = array<i64: 2, 2048, 32>}, {transform_indices = @transform_1, window_bounds = array<i64: 2, 2048, 32>}, {transform_indices = @transform_2, window_bounds = array<i64: 2, 2048, 16>}, {pipeline_mode = #tpu.pipeline_mode<synchronous>, transform_indices = @transform_3, window_bounds = array<i64: 1, 64>}, {transform_indices = @transform_4, window_bounds = array<i64: 2048, 64>}]} {
    %get3A = arith.constant 0 : index
    %get3A_0 = arith.constant 0 : index
    %get3A_1 = arith.constant 0 : index
    %get3A_2 = vector.load %arg3[%get3A, %get3A_0, %get3A_1] : memref<2x2048x16xf32, #tpu.memory_space<vmem>>, vector<2x2048x16xf32>
    %slice3A = vector.extract_strided_slice %get3A_2 {offsets = [0, 0, 0], sizes = [1, 2048, 16], strides = [1, 1, 1]} : vector<2x2048x16xf32> to vector<1x2048x16xf32>
    %squeeze3A = vector.shape_cast %slice3A : vector<1x2048x16xf32> to vector<2048x16xf32>
    %slice3A_3 = vector.extract_strided_slice %get3A_2 {offsets = [1, 0, 0], sizes = [1, 2048, 16], strides = [1, 1, 1]} : vector<2x2048x16xf32> to vector<1x2048x16xf32>
    %squeeze3A_4 = vector.shape_cast %slice3A_3 : vector<1x2048x16xf32> to vector<2048x16xf32>
    %add3A = arith.addf %squeeze3A, %squeeze3A_4 : vector<2048x16xf32>
    %slice3A_5 = vector.extract_strided_slice %add3A {offsets = [0, 0], sizes = [2048, 1], strides = [1, 1]} : vector<2048x16xf32> to vector<2048x1xf32>
    %add3A_6 = arith.constant 1.000000e+00 : f32
    %add3A_7 = vector.broadcast %add3A_6 : f32 to vector<2048x1xf32>
    %add3A_8 = arith.addf %slice3A_5, %add3A_7 : vector<2048x1xf32>
    %rsqrt3A = math.rsqrt %add3A_8 : vector<2048x1xf32>
    %get3A_9 = arith.constant 0 : index
    %get3A_10 = arith.constant 0 : index
    %get3A_11 = arith.constant 0 : index
    %get3A_12 = vector.load %arg1[%get3A_9, %get3A_10, %get3A_11] : memref<2x2048x32xf32, #tpu.memory_space<vmem>>, vector<1x2048x32xf32>
    %get3A_13 = vector.shape_cast %get3A_12 : vector<1x2048x32xf32> to vector<2048x32xf32>
    %get3A_14 = arith.constant 1 : index
    %get3A_15 = arith.constant 0 : index
    %get3A_16 = arith.constant 0 : index
    %get3A_17 = vector.load %arg1[%get3A_14, %get3A_15, %get3A_16] : memref<2x2048x32xf32, #tpu.memory_space<vmem>>, vector<1x2048x32xf32>
    %get3A_18 = vector.shape_cast %get3A_17 : vector<1x2048x32xf32> to vector<2048x32xf32>
    %concatenate3A = tpu.concatenate %get3A_13, %get3A_18 in 1 : vector<2048x32xf32>, vector<2048x32xf32> -> vector<2048x64xf32>
    %get3A_19 = arith.constant 0 : index
    %get3A_20 = arith.constant 0 : index
    %get3A_21 = arith.constant 0 : index
    %get3A_22 = vector.load %arg2[%get3A_19, %get3A_20, %get3A_21] : memref<2x2048x32xf32, #tpu.memory_space<vmem>>, vector<1x2048x32xf32>
    %get3A_23 = vector.shape_cast %get3A_22 : vector<1x2048x32xf32> to vector<2048x32xf32>
    %get3A_24 = arith.constant 1 : index
    %get3A_25 = arith.constant 0 : index
    %get3A_26 = arith.constant 0 : index
    %get3A_27 = vector.load %arg2[%get3A_24, %get3A_25, %get3A_26] : memref<2x2048x32xf32, #tpu.memory_space<vmem>>, vector<1x2048x32xf32>
    %get3A_28 = vector.shape_cast %get3A_27 : vector<1x2048x32xf32> to vector<2048x32xf32>
    %concatenate3A_29 = tpu.concatenate %get3A_23, %get3A_28 in 1 : vector<2048x32xf32>, vector<2048x32xf32> -> vector<2048x64xf32>
    %add3A_30 = arith.addf %concatenate3A, %concatenate3A_29 : vector<2048x64xf32>
    %mul3A = vector.broadcast %rsqrt3A : vector<2048x1xf32> to vector<2048x64xf32>
    %mul3A_31 = arith.mulf %add3A_30, %mul3A : vector<2048x64xf32>
    %get3A_32 = arith.constant 0 : index
    %get3A_33 = arith.constant 0 : index
    %get3A_34 = vector.load %arg4[%get3A_32, %get3A_33] : memref<1x64xf32, #tpu.memory_space<vmem>>, vector<1x64xf32>
    %add3A_35 = vector.broadcast %get3A_34 : vector<1x64xf32> to vector<2048x64xf32>
    %add3A_36 = arith.addf %mul3A_31, %add3A_35 : vector<2048x64xf32>
    %swap3A = arith.constant 0 : index
    %swap3A_37 = arith.constant 0 : index
    %swap3A_38 = vector.load %arg5[%swap3A, %swap3A_37] : memref<2048x64xf32, #tpu.memory_space<vmem>>, vector<2048x64xf32>
    tpu.vector_store %arg5[%swap3A, %swap3A_37], %add3A_36 {strides = array<i32>} : memref<2048x64xf32, #tpu.memory_space<vmem>>, vector<2048x64xf32>,
    return
  }
  func.func @transform_0(%arg0: i32) -> (i32, i32, i32) {
    %c0_i32 = arith.constant 0 : i32
    %c0_i32_0 = arith.constant 0 : i32
    %c0_i32_1 = arith.constant 0 : i32
    return %c0_i32, %arg0, %c0_i32_0 : i32, i32, i32
  }
  func.func @transform_1(%arg0: i32) -> (i32, i32, i32) {
    %c0_i32 = arith.constant 0 : i32
    %c0_i32_0 = arith.constant 0 : i32
    %c0_i32_1 = arith.constant 0 : i32
    return %c0_i32, %arg0, %c0_i32_0 : i32, i32, i32
  }
  func.func @transform_2(%arg0: i32) -> (i32, i32, i32) {
    %c0_i32 = arith.constant 0 : i32
    %c0_i32_0 = arith.constant 0 : i32
    %c0_i32_1 = arith.constant 0 : i32
    return %c0_i32, %arg0, %c0_i32_0 : i32, i32, i32
  }
  func.func @transform_3(%arg0: i32) -> (i32, i32) {
    %c0_i32 = arith.constant 0 : i32
    %c0_i32_0 = arith.constant 0 : i32
    %c0_i32_1 = arith.constant 0 : i32
    return %c0_i32, %c0_i32_0 : i32, i32
  }
  func.func @transform_4(%arg0: i32) -> (i32, i32) {
    %c0_i32 = arith.constant 0 : i32
    %c0_i32_0 = arith.constant 0 : i32
    return %arg0, %c0_i32 : i32, i32
  }
}

</mosaic_0001>

<sc_bundles>
// kernel: kernel.12.cloned.1.call-start
scs
__scs_entry_jumppad:
0x0: {  	(pc) =	sbr.rel $0x88, $3  }
0x1: {  	(tag) =	ssettag $0x0;
	lr =	simm.s32 $0x1  }
0x2: {  	[smem:$0x3F9B] =	sst lr;
	_ =	strace $0xD0000000  }
0x3: {  	_ = 	snop  }
0x4: {  	_ = 	snop  }
0x5: {  	_ = 	snop  }
0x6: {  	_ = 	snop  }
0x7: {  	_ = 	snop  }
__scs_overlays_trampoline_lowered:
0x8: {  	[smem:$0x3FAA] =	sst s0  }
0x9: {  	[smem:$0x3FAB] =	sst s1  }
0xa: {  	[smem:$0x3FAC] =	sst s2  }
0xb: {  	[smem:$0x3FAD] =	sst s3  }
0xc: {  	[smem:$0x3FAE] =	sst s4  }
0xd: {  	[smem:$0x3FAF] =	sst s5  }
0xe: {  	[smem:$0x3FB0] =	sst s6  }
0xf: {  	[smem:$0x3FB1] =	sst s7  }
0x10: {  	[smem:$0x3FB2] =	sst s8  }
0x11: {  	[smem:$0x3FB3] =	sst s9;
	s0 =	simm.s32 @!p0 $0x0  }
0x12: {  	s1 =	sld [smem:$0x3F99];
	s0 =	simm.s32 @p0 $0x1  }
0x13: {  	[smem:$0x3FB4] =	sst s0;
	s0 =	simm.s32 @!p1 $0x0  }
0x14: {  	s2 =	sld [smem:$0x3F98];
	s0 =	simm.s32 @p1 $0x1  }
0x15: {  	[smem:$0x3FB5] =	sst s0;
	s0 =	simm.s32 @!p2 $0x0  }
0x16: {  	s3 =	sld [smem:$0x3FDB];
	s0 =	simm.s32 @p2 $0x1  }
0x17: {  	s4 =	simm.s32 $0x1BF5;
	[smem:$0x3FB7] =	sst s0  }
0x18: {  	s0 =	sld [smem:$0x3F9A];
	_ =	swait.ge [sflag:s4], $0x0  }
0x19: {  	s7 =	sld [smem:$0x3F9B]  }
0x1a: {  	s8 =	sadd.s32 $0xFFFFE003, lr  }
0x1b: {  	s9 =	sadd.s32 $0xFFFFFEF7, lr;
	s5 =	simm.s32 $0xFFFFFFFF;
	p2 =	slt.u32 s8, $0xFFFFF086  }
0x1c: {  	p1 =	slt.u32 s9, $0xF7A;
	s5 =	simm.s32 @!p2 $0x0  }
0x1d: {  	s5 =	simm.s32 @p1 $0x1;
	p0 =	seq.s32 s7, s2  }
0x1e: {  	s7 =	smul.u32 @!p0 $0xF7A, s2;
	p2 =	seq.s32 @!p0 s5, $0x0  }
0x1f: {  	s9 =	smul.u32 $0xF7A, s1;
	s8 =	simm.s32 @!p0 $0x1BF5;
	p2 =	por !p2, p0  }
0x20: {  	[sflag:s8] =	ssyncset.s32 @!p0 $0xFFFFF086;
	s6 =	sadd.s32 @!p0 s3, s7;
	s7 =	simm.s32 @!p0 $0x108  }
0x21: {  	s3 =	sadd.s32 s3, s9;
	s6 =	sadd.s32 @!p0 $0x88, s6;
	s7 =	simm.s32 @p2 $0x1082  }
0x22: {  	[simem:s7], [sflag:s8] =	dma.local @!p0 [hbm:s6], $0xF7A  }
0x23: {  	s9 =	sor.u32 $0xD0000000, s2;
	s6 =	simm.s32 $0x108;
	_ =	swait.ge @!p0 [sflag:s8], $0x0  }
0x24: {  	s3 =	sadd.s32 $0x88, s3;
	s6 =	simm.s32 @!p1 $0x1082;
	[sflag:s4] =	ssyncset.s32 $0xFFFFF086  }
0x25: {  	[simem:s6], [sflag:s4] =	dma.local [hbm:s3], $0xF7A  }
0x26: {  	[smem:$0x3F9B] =	sst s1;
	(tag) =	ssettag s2;
	_ =	strace s9  }
0x27: {  	s1 =	sld [smem:$0x3FAB]  }
0x28: {  	s2 =	sld [smem:$0x3FAC]  }
0x29: {  	s4 =	sld [smem:$0x3FAE]  }
0x2a: {  	p0 =	seq.s32 s5, $0x0;
	s5 =	sld [smem:$0x3FAF]  }
0x2b: {  	s6 =	sld [smem:$0x3FB0]  }
0x2c: {  	s7 =	sld [smem:$0x3FB1]  }
0x2d: {  	s3 =	simm.s32 $0x108;
	s8 =	sld [smem:$0x3FB2]  }
0x2e: {  	s3 =	simm.s32 @!p0 $0x1082;
	s9 =	sld [smem:$0x3FB3]  }
0x2f: {  	lr =	sadd.s32 s0, s3;
	s0 =	sld [smem:$0x3FAA]  }
0x30: {  	s3 =	sld [smem:$0x3FAD]  }
0x31: {  	[smem:$0x3FB6] =	sst s10  }
0x32: {  	s10 =	sld [smem:$0x3FB4];
	_ =	sdelay $0x3  }
0x33: {  	p0 =	seq.s32 s10, $0x1;
	s10 =	sld [smem:$0x3FB6];
	_ =	sdelay $0x3  }
0x34: {  	[smem:$0x3FB6] =	sst s10  }
0x35: {  	s10 =	sld [smem:$0x3FB5];
	_ =	sdelay $0x3  }
0x36: {  	p1 =	seq.s32 s10, $0x1;
	s10 =	sld [smem:$0x3FB6];
	_ =	sdelay $0x3  }
0x37: {  	[smem:$0x3FB6] =	sst s10  }
0x38: {  	s10 =	sld [smem:$0x3FB7]  }
0x39: {  	_ = 	snop;
	(pc) =	sbr.ind lr, $3  }
0x3a: {  	_ = 	snop  }
0x3b: {  	_ = 	snop  }
0x3c: {  	p2 =	seq.s32 s10, $0x1;
	s10 =	sld [smem:$0x3FB6]  }
0x3d: {  	_ =	shalt  }
0x3e: {  	_ =	shalt  }
0x3f: {  	_ =	shalt  }
0x40: {  	_ =	shalt  }
0x41: {  	_ =	shalt  }
0x42: {  	_ =	shalt  }
0x43: {  	_ =	shalt  }
0x44: {  	_ =	shalt  }
0x45: {  	_ =	shalt  }
0x46: {  	_ =	shalt  }
0x47: {  	_ =	shalt  }
0x48: {  	_ =	shalt  }
0x49: {  	_ =	shalt  }
0x4a: {  	_ =	shalt  }
0x4b: {  	_ =	shalt  }
0x4c: {  	_ =	shalt  }
0x4d: {  	_ =	shalt  }
0x4e: {  	_ =	shalt  }
0x4f: {  	_ =	shalt  }
0x50: {  	_ =	shalt  }
0x51: {  	_ =	shalt  }
0x52: {  	_ =	shalt  }
0x53: {  	_ =	shalt  }
0x54: {  	_ =	shalt  }
0x55: {  	_ =	shalt  }
0x56: {  	_ =	shalt  }
0x57: {  	_ =	shalt  }
0x58: {  	_ =	shalt  }
0x59: {  	_ =	shalt  }
0x5a: {  	_ =	shalt  }
0x5b: {  	_ =	shalt  }
0x5c: {  	_ =	shalt  }
0x5d: {  	_ =	shalt  }
0x5e: {  	_ =	shalt  }
0x5f: {  	_ =	shalt  }
0x60: {  	_ =	shalt  }
0x61: {  	_ =	shalt  }
0x62: {  	_ =	shalt  }
0x63: {  	_ =	shalt  }
0x64: {  	_ =	shalt  }
0x65: {  	_ =	shalt  }
0x66: {  	_ =	shalt  }
0x67: {  	_ =	shalt  }
0x68: {  	_ =	shalt  }
0x69: {  	_ =	shalt  }
0x6a: {  	_ =	shalt  }
0x6b: {  	_ =	shalt  }
0x6c: {  	_ =	shalt  }
0x6d: {  	_ =	shalt  }
0x6e: {  	_ =	shalt  }
0x6f: {  	_ =	shalt  }
0x70: {  	_ =	shalt  }
0x71: {  	_ =	shalt  }
0x72: {  	_ =	shalt  }
0x73: {  	_ =	shalt  }
0x74: {  	_ =	shalt  }
0x75: {  	_ =	shalt  }
0x76: {  	_ =	shalt  }
0x77: {  	_ =	shalt  }
0x78: {  	_ =	shalt  }
0x79: {  	_ =	shalt  }
0x7a: {  	_ =	shalt  }
0x7b: {  	_ =	shalt  }
0x7c: {  	_ =	shalt  }
0x7d: {  	_ =	shalt  }
0x7e: {  	_ =	shalt  }
0x7f: {  	_ =	shalt  }
0x80: {  	_ =	shalt  }
0x81: {  	_ =	shalt  }
0x82: {  	_ =	shalt  }
0x83: {  	_ =	shalt  }
0x84: {  	_ =	shalt  }
0x85: {  	_ =	shalt  }
0x86: {  	_ =	shalt  }
0x87: {  	_ =	shalt  }
.Lfunc_end0:
.L_simem_size_0:
called_computation.1_lowered:
.L_overlay_start_0:
0x88: {  	s2 =	sld [smem:$0x3FD9]  }
0x89: {  	s3 =	sld [smem:$0x3FFE];
	_ =	sdelay $0x1  }
0x8a: {  	s1 =	srdreg.scid  }
0x8b: {  	s0 =	sand.u32 $0x1, s1  }
0x8c: {  	s16 =	sshll.u32 s0, $0xA;
	s2 =	sadd.s32 s3, s2  }
0x8d: {  	s2 =	sadd.s32 s2, s16  }
0x8e: {  	[smem:$0x3FC2] =	sst s2  }
0x8f: {  	_ = 	snop  }
0x90: {  	(tm) =	ssettm $0x1  }
0x91: {  	s17 =	sld [smem:$0x3FFB];
	_ =	sdelay $0x3  }
0x92: {  	_ =	strace s17  }
0x93: {  	s2 =	sld [smem:$0x3FFC];
	_ =	sdelay $0x3  }
0x94: {  	_ =	strace s2  }
0x95: {  	s2 =	sld [smem:$0x3FFD];
	_ =	sdelay $0x3  }
0x96: {  	_ =	strace s2  }
0x97: {  	_ =	strace $0x8FFFFFFF  }
0x98: {  	s18 =	sld [smem:$0x3FDB];
	_ =	sdelay $0x1  }
0x99: {  	s19 =	simm.s32 $_scs_section_size  }
0x9a: {  	s4 =	simm.s32 $_size__tile_overlayer_lowered;
	s5 =	simm.s32 $_tile_overlayer_lowered  }
0x9b: {  	s22 =	simm.s32 $0x1BFF;
	s21 =	sshll.u32 s5, $0x1;
	s2 =	sadd.s32 s19, s18  }
0x9c: {  	s6 =	simm.s32 $0x0;
	s20 =	sshll.u32 s4, $0x1;
	s4 =	sadd.s32 s21, s2  }
0x9d: {  	[timem:s6], [sflag:s22] =	dma.local [hbm:s4], s20  }
0x9e: {  	_ =	swait.ge [sflag:s22], s20  }
0x9f: {  	s3 =	ssub.s32 $0x0, s20;
	[sflag:s22] =	ssyncset.done $0x0  }
0xa0: {  	[sflag:s22] =	ssyncadd.s32 s3;
	_ =	sdelay $0x1  }
0xa1: {  	s23 =	simm.s32 $0x1B8B  }
0xa2: {  	_ =	swait.ge [sflag:s23], $0x1  }
0xa3: {  	[sflag:s23] =	ssyncset.done $0x0  }
0xa4: {  	s25 =	simm.s32 $0x1B8E;
	s24 =	sld [smem:$0x3FFE];
	[sflag:s23] =	ssyncadd.s32 $0xFFFFFFFF  }
0xa5: {  	s26 =	simm.s32 $execute0_lowered;
	[smem:$0x3FD2] =	sst s25  }
0xa6: {  	s4 =	sshll.u32 s26, $0x1;
	_ =	strace $0x80000049;
	[dreg:$0x1] =	wrdreg $0xFFFFFFFF  }
0xa7: {  	s28 =	simm.s32 $_size_execute0_lowered;
	s2 =	sadd.s32 s2, s4;
	[dreg:$0x0] =	wrdreg $0x0  }
0xa8: {  	s4 =	sshll.u32 s28, $0x1;
	[dreg:$0x2] =	wrdreg s2  }
0xa9: {  	[dreg:$0x3] =	wrdreg s4  }
0xaa: {  	[dreg:$0x4] =	wrdreg $0xC0  }
0xab: {  	_ =	task [dreg:s6], $0x5FFFF  }
0xac: {  	[dreg:$0x1] =	wrdreg $0xFFFFFFFF  }
0xad: {  	[dreg:$0x0] =	wrdreg $0x60  }
0xae: {  	[dreg:$0x2] =	wrdreg s24  }
0xaf: {  	[dreg:$0x3] =	wrdreg $0xFE000  }
0xb0: {  	[dreg:$0x4] =	wrdreg $0x9  }
0xb1: {  	_ =	task.clear_ibuf [dreg:s6], $0x5FFFF;
	_ =	strace $0x90000049  }
0xb2: {  	s29 =	simm.s32 $0x9;
	_ =	strace $0x8000004B  }
0xb3: {  	_ =	swait.ge [sflag:s29], $0x1  }
0xb4: {  	[sflag:s29] =	ssyncadd.s32 $0xFFFFFFFF  }
0xb5: {  	_ =	strace $0x9000004B  }
0xb6: {  	_ =	sfence  }
0xb7: {  	s30 =	sld [smem:$0x0];
	_ =	sdelay $0x2  }
0xb8: {  	s31 =	sshll.u32 s1, $0xD;
	s1 =	sshrl.u32 s1, $0x2  }
0xb9: {  	s3 =	sand.u32 $0x4000, s31;
	s1 =	sadd.s32 s1, s30  }
0xba: {  	s0 =	sor.u32 s3, s0;
	s1 =	sshll.u32 s1, $0x11  }
0xbb: {  	s0 =	sor.u32 s1, s0  }
0xbc: {  	s0 =	sadd.s32 $0x8F2B, s0  }
0xbd: {  	[sflag:s0] =	ssyncadd.remote.s32 $0x1  }
0xbe: {  	_ =	sfence.sel $0xFFFF  }
0xbf: {  	[dreg:$0x0] =	wrdreg $0xFFFFFFFF;
	(pc) =	sbr.abs _section_cstart, $3  }
0xc0: {  	[dreg:$0x1] =	wrdreg $0xFFFFFFFF  }
0xc1: {  	_ =	task.clear_ibuf [dreg:s6], $0x2FFFF;
	_ =	strace $0x9FFFFFFF  }
0xc2: {  	(tm) =	ssettm $0x7FFFFFFF  }
0xc3: {  	_ =	shalt  }
tec
execute0_lowered:
.L_overlay_start_1:
0x0: {  	(tag) =	ssettag $0x1  }
0x1: {  	s4 =	rddreg [dreg:$0x0];
	s0 =	srdreg.scid  }
0x2: {  	s2 =	rddreg [dreg:$0x1];
	s1 =	stileid.u32;
	s3 =	simm.s32 $0x0  }
0x3: {  	s15 =	simm.s32 $0x3;
	s16 =	simm.s32 $0x4F00;
	s17 =	simm.s32 $0x80  }
0x4: {  	s18 =	simm.s32 $0x9E00;
	s19 =	simm.s32 $0xBE00;
	s20 =	simm.s32 $0x1  }
0x5: {  	s21 =	simm.s32 $0x2;
	s22 =	simm.s32 $0x9D00;
	s7 =	smul.u32 $0x9E0, s1  }
0x6: {  	s5 =	sand.u32 $0x1, s0;
	s0 =	rddreg [dreg:$0x2];
	s8 =	smul.u32 $0xA000, s1  }
0x7: {  	s23 =	simm.s32 $0x9D80;
	[smem:$0x7FF] =	sst s3;
	s10 =	smul.u32 $0x28000, s1  }
0x8: {  	s6 =	smul.u32 $0xA0000, s5;
	_ =	strace $0x8000004A;
	s5 =	ssub.s32 $0x2, s5  }
0x9: {  	s12 =	sadd.s32 s7, s4;
	s29 =	sshrl.u32 s10, $0x2;
	s30 =	sshrl.u32 s5, $0x1  }
0xa: {  	s9 =	sshrl.u32 s6, $0x3;
	s6 =	sadd.s32 s8, s6;
	s31 =	sadd.s32 s29, s2  }
0xb: {  	s14 =	ssub.s32 s5, s30;
	s10 =	sadd.s32 $0xC000, s12;
	s11 =	sadd.s32 s9, s4  }
0xc: {  	s6 =	sshrl.u32 s6, $0x3;
	s5 =	sadd.s32 $0x2000, s31;
	s7 =	sadd.s32 $0x6000, s31  }
0xd: {  	s9 =	sadd.s32 $0x2200, s12;
	s13 =	sadd.s32 s6, s4;
	s4 =	sadd.s32 s8, s2  }
0xe: {  	s6 =	sadd.s32 $0x4000, s31;
	s8 =	sadd.s32 $0x8000, s31;
	s11 =	sadd.s32 $0xB5E00, s11  }
0xf: {  	v0 =	vimm.f32 $0.0e+00;
	s12 =	sadd.s32 $0xDDE00, s13;
	s13 =	smax.u32 s14, $0x1;
	s14 =	simm.s32 $0xDE00  }
.LBB2_1:
0x10: {  	s25 =	simm.s32 $0x100;
	s24 =	simm.s32 $0x0  }
.LBB2_2:
0x11: {  	p0 =	sne.s32 s25, $0x7F00;
	[tilespmem:s24+$0xDE30] =	vst v0;
	s26 =	smov.u32 s25;
	s25 =	sadd.s32 $0x100, s25  }
.Ltmp0:
0x12: {  	[tilespmem:s24+$0xDE20] =	vst v0;
	(pc) =	sbr.rel @p0 .LBB2_2-.Ltmp0, $3  }
0x13: {  	[tilespmem:s24+$0xDE00] =	vst v0  }
0x14: {  	[tilespmem:s24+$0xDE10] =	vst v0;
	_ =	sdelay $0x1  }
0x15: {  	s24 =	sshra.s32 s26, $0x2  }
0x16: {  	[tilespmem:s24+$0xDE30] =	vst v0  }
0x17: {  	[tilespmem:s24+$0xDE20] =	vst v0  }
0x18: {  	[tilespmem:s24+$0xDE00] =	vst v0  }
0x19: {  	[tilespmem:s24+$0xDE10] =	vst v0  }
0x1a: {  	[spmem:s4] =	stream.linear.scatter [tilespmem:s14], [sflag:$0x3], $0x2000, $0x38;
	[tilespmem:$0x19E00] =	vst v63  }
0x1b: {  	_ =	swait.ge [sflag:s15], $0x2000  }
0x1c: {  	[sflag:s15] =	ssyncset.done $0x0  }
0x1d: {  	[sflag:s15] =	ssyncadd.s32 $0xFFFFE000  }
0x1e: {  	[spmem:s5] =	stream.linear.scatter [tilespmem:s14], [sflag:$0x3], $0x2000, $0x38;
	[tilespmem:$0x19E00] =	vst v63  }
0x1f: {  	_ =	swait.ge [sflag:s15], $0x2000  }
0x20: {  	[sflag:s15] =	ssyncset.done $0x0  }
0x21: {  	[sflag:s15] =	ssyncadd.s32 $0xFFFFE000  }
0x22: {  	[spmem:s6] =	stream.linear.scatter [tilespmem:s14], [sflag:$0x3], $0x2000, $0x38;
	[tilespmem:$0x19E00] =	vst v63  }
0x23: {  	_ =	swait.ge [sflag:s15], $0x2000  }
0x24: {  	[sflag:s15] =	ssyncset.done $0x0  }
0x25: {  	[sflag:s15] =	ssyncadd.s32 $0xFFFFE000  }
0x26: {  	[spmem:s7] =	stream.linear.scatter [tilespmem:s14], [sflag:$0x3], $0x2000, $0x38;
	[tilespmem:$0x19E00] =	vst v63  }
0x27: {  	_ =	swait.ge [sflag:s15], $0x2000  }
0x28: {  	[sflag:s15] =	ssyncset.done $0x0  }
0x29: {  	[sflag:s15] =	ssyncadd.s32 $0xFFFFE000  }
0x2a: {  	[spmem:s8] =	stream.linear.scatter [tilespmem:s14], [sflag:$0x3], $0x2000, $0x38;
	[tilespmem:$0x19E00] =	vst v63  }
0x2b: {  	_ =	swait.ge [sflag:s15], $0x2000  }
0x2c: {  	[sflag:s15] =	ssyncset.done $0x0  }
0x2d: {  	s28 =	simm.s32 $0x0;
	[sflag:s15] =	ssyncadd.s32 $0xFFFFE000  }
0x2e: {  	[tilespmem:s28], [sflag:$0x3] =	stream.linear.gather [hbm4b:s9+s28], $0x4F00, $0x38;
	[tilespmem:$0x19E00] =	vst v63  }
0x2f: {  	_ =	swait.ge [sflag:s15], $0x4F00  }
0x30: {  	[sflag:s15] =	ssyncset.done $0x0  }
0x31: {  	[sflag:s15] =	ssyncadd.s32 $0xFFFFB100  }
0x32: {  	[tilespmem:s16], [sflag:$0x3] =	stream.linear.gather [hbm4b:s10+s28], $0x4F00, $0x38;
	[tilespmem:$0x19E00] =	vst v63  }
0x33: {  	_ =	swait.ge [sflag:s15], $0x4F00  }
0x34: {  	[sflag:s15] =	ssyncset.done $0x0  }
0x35: {  	[sflag:s15] =	ssyncadd.s32 $0xFFFFB100  }
0x36: {  	[bflag:$0x0] =	sbarrier.arrive $0xFFFF  }
0x37: {  	[tilespmem:s18], [sflag:$0x1] =	stream.indirect.gather [hbm4b:s11+s17], $0x40, s28, s17, $0xb8;
	[tilespmem:$0x19E00] =	vst v63  }
0x38: {  	_ = 	snop  }
0x39: {  	[tilespmem:s19], [sflag:$0x2] =	stream.indirect.gather [hbm4b:s11+s17], $0x40, s17, s17, $0xb8;
	[tilespmem:$0x19E00] =	vst v63  }
0x3a: {  	_ =	swait.ge [sflag:s20], $0x2000  }
0x3b: {  	[sflag:s20] =	ssyncset.done $0x0  }
0x3c: {  	s29 =	simm.s32 $0x4F00;
	[sflag:s20] =	ssyncadd.s32 $0xFFFFE000  }
0x3d: {  	[spmem:s2] =	stream.indirect.scatter.add.f32 [tilespmem:s18], [sflag:$0x3], $0x40, s29, s17, $0xb8;
	[tilespmem:$0x19E00] =	vst v63  }
0x3e: {  	_ =	swait.ge [sflag:s15], $0x2000  }
0x3f: {  	[sflag:s15] =	ssyncset.done $0x0  }
0x40: {  	s30 =	simm.s32 $0x100;
	[sflag:s15] =	ssyncadd.s32 $0xFFFFE000  }
0x41: {  	[tilespmem:s18], [sflag:$0x1] =	stream.indirect.gather [hbm4b:s11+s17], $0x40, s30, s17, $0xb8;
	[tilespmem:$0x19E00] =	vst v63  }
0x42: {  	_ =	swait.ge [sflag:s21], $0x2000  }
0x43: {  	[sflag:s21] =	ssyncset.done $0x0  }
0x44: {  	s31 =	simm.s32 $0x4F80;
	[sflag:s21] =	ssyncadd.s32 $0xFFFFE000  }
0x45: {  	[spmem:s2] =	stream.indirect.scatter.add.f32 [tilespmem:s19], [sflag:$0x3], $0x40, s31, s17, $0xb8;
	[tilespmem:$0x19E00] =	vst v63  }
0x46: {  	_ =	swait.ge [sflag:s15], $0x2000  }
0x47: {  	[sflag:s15] =	ssyncset.done $0x0  }
0x48: {  	s24 =	simm.s32 $0x400;
	s25 =	simm.s32 $0x180;
	[sflag:s15] =	ssyncadd.s32 $0xFFFFE000  }
.LBB2_4:
0x49: {  	[tilespmem:s19], [sflag:$0x2] =	stream.indirect.gather [hbm4b:s11+s17], $0x40, s25, s17, $0xb8;
	[tilespmem:$0x19E00] =	vst v63  }
0x4a: {  	s25 =	smov.u32 s24  }
0x4b: {  	p0 =	sne.s32 s24, $0x13400;
	s24 =	sadd.s32 $0x400, s24;
	_ =	swait.ge [sflag:s20], $0x2000  }
0x4c: {  	s25 =	sshra.s32 s25, $0x2;
	[sflag:s20] =	ssyncset.done $0x0  }
0x4d: {  	s26 =	sadd.s32 $0x4F00, s25;
	[sflag:s20] =	ssyncadd.s32 $0xFFFFE000  }
0x4e: {  	[spmem:s2] =	stream.indirect.scatter.add.f32 [tilespmem:s18], [sflag:$0x3], $0x40, s26, s17, $0xb8;
	[tilespmem:$0x19E00] =	vst v63  }
0x4f: {  	_ =	swait.ge [sflag:s15], $0x2000  }
0x50: {  	[sflag:s15] =	ssyncset.done $0x0  }
0x51: {  	s26 =	sadd.s32 $0x100, s25;
	[sflag:s15] =	ssyncadd.s32 $0xFFFFE000  }
0x52: {  	[tilespmem:s18], [sflag:$0x1] =	stream.indirect.gather [hbm4b:s11+s17], $0x40, s26, s17, $0xb8;
	[tilespmem:$0x19E00] =	vst v63  }
0x53: {  	_ =	swait.ge [sflag:s21], $0x2000  }
0x54: {  	[sflag:s21] =	ssyncset.done $0x0  }
.Ltmp1:
0x55: {  	s26 =	sadd.s32 $0x4F80, s25;
	[sflag:s21] =	ssyncadd.s32 $0xFFFFE000;
	(pc) =	sbr.rel @p0 .LBB2_4-.Ltmp1, $4  }
0x56: {  	[spmem:s2] =	stream.indirect.scatter.add.f32 [tilespmem:s19], [sflag:$0x3], $0x40, s26, s17, $0xb8;
	[tilespmem:$0x19E00] =	vst v63  }
0x57: {  	_ =	swait.ge [sflag:s15], $0x2000  }
0x58: {  	[sflag:s15] =	ssyncset.done $0x0  }
0x59: {  	s25 =	sadd.s32 $0x180, s25;
	[sflag:s15] =	ssyncadd.s32 $0xFFFFE000  }
0x5a: {  	[tilespmem:s19], [sflag:$0x2] =	stream.indirect.gather [hbm4b:s11+s17], $0x40, s25, s17, $0xb8;
	[tilespmem:$0x19E00] =	vst v63  }
0x5b: {  	_ =	swait.ge [sflag:s20], $0x2000  }
0x5c: {  	[sflag:s20] =	ssyncset.done $0x0  }
0x5d: {  	[sflag:s20] =	ssyncadd.s32 $0xFFFFE000  }
0x5e: {  	[spmem:s2] =	stream.indirect.scatter.add.f32 [tilespmem:s18], [sflag:$0x3], $0x40, s22, s17, $0xb8;
	[tilespmem:$0x19E00] =	vst v63  }
0x5f: {  	_ =	swait.ge [sflag:s15], $0x2000  }
0x60: {  	[sflag:s15] =	ssyncset.done $0x0  }
0x61: {  	[sflag:s15] =	ssyncadd.s32 $0xFFFFE000  }
0x62: {  	_ =	swait.ge [sflag:s21], $0x2000  }
0x63: {  	[sflag:s21] =	ssyncset.done $0x0  }
0x64: {  	[sflag:s21] =	ssyncadd.s32 $0xFFFFE000  }
0x65: {  	[spmem:s2] =	stream.indirect.scatter.add.f32 [tilespmem:s19], [sflag:$0x3], $0x40, s23, s17, $0xb8;
	[tilespmem:$0x19E00] =	vst v63  }
0x66: {  	_ =	swait.ge [sflag:s15], $0x2000  }
0x67: {  	s24 =	sshll.u32 s1, $0x6;
	s3 =	sadd.s32 $0x1, s3;
	[sflag:s15] =	ssyncset.done $0x0  }
0x68: {  	s31 =	sshrl.u32 s4, $0x3;
	p0 =	sne.s32 s3, s13;
	[sflag:s15] =	ssyncadd.s32 $0xFFFFE000  }
.Ltmp2:
0x69: {  	s24 =	sor.u32 $0x1C03, s24;
	[bflag:$0x0] =	sbarrier.arrive $0xFFFF;
	(pc) =	sbr.rel @p0 .LBB2_1-.Ltmp2, $4  }
0x6a: {  	[hbm:s12], [sflag:s24] =	dma.local [spmem:s31], $0x1400  }
0x6b: {  	_ =	swait.ge [sflag:s15], $0x1400  }
0x6c: {  	[sflag:s15] =	ssyncset.done $0x0  }
0x6d: {  	[sflag:s15] =	ssyncadd.s32 $0xFFFFEC00  }
0x6e: {  	_ =	sfence.sel $0x180000  }
0x6f: {  	[bflag:$0x0] =	sbarrier.arrive $0xFFFF  }
0x70: {  	p0 =	sne.s32 s1, $0x0;
	_ =	strace $0x9000004A  }
0x71: {  	s0 =	sadd.s32 @!p0 $0x100000, s0;
	[bflag:$0x2] =	sbarrier.arrive $0xFFFF  }
0x72: {  	[sflag:s0] =	ssyncadd.tile.s32 @!p0 $0x1;
	_ =	shalt  }
.Lfunc_end2:
_tile_overlayer_lowered:
.L_overlay_start_2:
0x73: {  	(tag) =	ssettag $0x2  }
0x74: {  	s0 =	rddreg [dreg:$0x0];
	s2 =	stileid.u32  }
0x75: {  	s1 =	rddreg [dreg:$0x1];
	p0 =	sne.s32 s2, $0x0  }
0x76: {  	s3 =	rddreg [dreg:$0x2];
	[bflag:$0x3] =	sbarrier.arrive $0xFFFF;
	s2 =	simm.s32 @!p0 $0x1C03  }
0x77: {  	[timem:s3], [sflag:s2] =	dma.local @!p0 [hbm:s0], s1  }
0x78: {  	s0 =	simm.s32 @!p0 $0x3  }
0x79: {  	_ =	swait.ge @!p0 [sflag:s0], s1  }
0x7a: {  	s1 =	ssub.s32 @!p0 $0x0, s1;
	[sflag:s0] =	ssyncset.done @!p0 $0x0  }
0x7b: {  	[sflag:s0] =	ssyncadd.s32 @!p0 s1  }
0x7c: {  	[bflag:$0x3] =	sbarrier.arrive $0xFFFF  }
0x7d: {  	_ =	shalt  }

// kernel: kernel.15.cloned.1.call-start
scs
__scs_entry_jumppad:
0x0: {  	(pc) =	sbr.rel $0x88, $3  }
0x1: {  	(tag) =	ssettag $0x0;
	lr =	simm.s32 $0x1  }
0x2: {  	[smem:$0x3F9B] =	sst lr;
	_ =	strace $0xD0000000  }
0x3: {  	_ = 	snop  }
0x4: {  	_ = 	snop  }
0x5: {  	_ = 	snop  }
0x6: {  	_ = 	snop  }
0x7: {  	_ = 	snop  }
__scs_overlays_trampoline_lowered:
0x8: {  	[smem:$0x3FAA] =	sst s0  }
0x9: {  	[smem:$0x3FAB] =	sst s1  }
0xa: {  	[smem:$0x3FAC] =	sst s2  }
0xb: {  	[smem:$0x3FAD] =	sst s3  }
0xc: {  	[smem:$0x3FAE] =	sst s4  }
0xd: {  	[smem:$0x3FAF] =	sst s5  }
0xe: {  	[smem:$0x3FB0] =	sst s6  }
0xf: {  	[smem:$0x3FB1] =	sst s7  }
0x10: {  	[smem:$0x3FB2] =	sst s8  }
0x11: {  	[smem:$0x3FB3] =	sst s9;
	s0 =	simm.s32 @!p0 $0x0  }
0x12: {  	s1 =	sld [smem:$0x3F99];
	s0 =	simm.s32 @p0 $0x1  }
0x13: {  	[smem:$0x3FB4] =	sst s0;
	s0 =	simm.s32 @!p1 $0x0  }
0x14: {  	s2 =	sld [smem:$0x3F98];
	s0 =	simm.s32 @p1 $0x1  }
0x15: {  	[smem:$0x3FB5] =	sst s0;
	s0 =	simm.s32 @!p2 $0x0  }
0x16: {  	s3 =	sld [smem:$0x3FDB];
	s0 =	simm.s32 @p2 $0x1  }
0x17: {  	s4 =	simm.s32 $0x1BF5;
	[smem:$0x3FB7] =	sst s0  }
0x18: {  	s0 =	sld [smem:$0x3F9A];
	_ =	swait.ge [sflag:s4], $0x0  }
0x19: {  	s7 =	sld [smem:$0x3F9B]  }
0x1a: {  	s8 =	sadd.s32 $0xFFFFE003, lr  }
0x1b: {  	s9 =	sadd.s32 $0xFFFFFEF7, lr;
	s5 =	simm.s32 $0xFFFFFFFF;
	p2 =	slt.u32 s8, $0xFFFFF086  }
0x1c: {  	p1 =	slt.u32 s9, $0xF7A;
	s5 =	simm.s32 @!p2 $0x0  }
0x1d: {  	s5 =	simm.s32 @p1 $0x1;
	p0 =	seq.s32 s7, s2  }
0x1e: {  	s7 =	smul.u32 @!p0 $0xF7A, s2;
	p2 =	seq.s32 @!p0 s5, $0x0  }
0x1f: {  	s9 =	smul.u32 $0xF7A, s1;
	s8 =	simm.s32 @!p0 $0x1BF5;
	p2 =	por !p2, p0  }
0x20: {  	[sflag:s8] =	ssyncset.s32 @!p0 $0xFFFFF086;
	s6 =	sadd.s32 @!p0 s3, s7;
	s7 =	simm.s32 @!p0 $0x108  }
0x21: {  	s3 =	sadd.s32 s3, s9;
	s6 =	sadd.s32 @!p0 $0x88, s6;
	s7 =	simm.s32 @p2 $0x1082  }
0x22: {  	[simem:s7], [sflag:s8] =	dma.local @!p0 [hbm:s6], $0xF7A  }
0x23: {  	s9 =	sor.u32 $0xD0000000, s2;
	s6 =	simm.s32 $0x108;
	_ =	swait.ge @!p0 [sflag:s8], $0x0  }
0x24: {  	s3 =	sadd.s32 $0x88, s3;
	s6 =	simm.s32 @!p1 $0x1082;
	[sflag:s4] =	ssyncset.s32 $0xFFFFF086  }
0x25: {  	[simem:s6], [sflag:s4] =	dma.local [hbm:s3], $0xF7A  }
0x26: {  	[smem:$0x3F9B] =	sst s1;
	(tag) =	ssettag s2;
	_ =	strace s9  }
0x27: {  	s1 =	sld [smem:$0x3FAB]  }
0x28: {  	s2 =	sld [smem:$0x3FAC]  }
0x29: {  	s4 =	sld [smem:$0x3FAE]  }
0x2a: {  	p0 =	seq.s32 s5, $0x0;
	s5 =	sld [smem:$0x3FAF]  }
0x2b: {  	s6 =	sld [smem:$0x3FB0]  }
0x2c: {  	s7 =	sld [smem:$0x3FB1]  }
0x2d: {  	s3 =	simm.s32 $0x108;
	s8 =	sld [smem:$0x3FB2]  }
0x2e: {  	s3 =	simm.s32 @!p0 $0x1082;
	s9 =	sld [smem:$0x3FB3]  }
0x2f: {  	lr =	sadd.s32 s0, s3;
	s0 =	sld [smem:$0x3FAA]  }
0x30: {  	s3 =	sld [smem:$0x3FAD]  }
0x31: {  	[smem:$0x3FB6] =	sst s10  }
0x32: {  	s10 =	sld [smem:$0x3FB4];
	_ =	sdelay $0x3  }
0x33: {  	p0 =	seq.s32 s10, $0x1;
	s10 =	sld [smem:$0x3FB6];
	_ =	sdelay $0x3  }
0x34: {  	[smem:$0x3FB6] =	sst s10  }
0x35: {  	s10 =	sld [smem:$0x3FB5];
	_ =	sdelay $0x3  }
0x36: {  	p1 =	seq.s32 s10, $0x1;
	s10 =	sld [smem:$0x3FB6];
	_ =	sdelay $0x3  }
0x37: {  	[smem:$0x3FB6] =	sst s10  }
0x38: {  	s10 =	sld [smem:$0x3FB7]  }
0x39: {  	_ = 	snop;
	(pc) =	sbr.ind lr, $3  }
0x3a: {  	_ = 	snop  }
0x3b: {  	_ = 	snop  }
0x3c: {  	p2 =	seq.s32 s10, $0x1;
	s10 =	sld [smem:$0x3FB6]  }
0x3d: {  	_ =	shalt  }
0x3e: {  	_ =	shalt  }
0x3f: {  	_ =	shalt  }
0x40: {  	_ =	shalt  }
0x41: {  	_ =	shalt  }
0x42: {  	_ =	shalt  }
0x43: {  	_ =	shalt  }
0x44: {  	_ =	shalt  }
0x45: {  	_ =	shalt  }
0x46: {  	_ =	shalt  }
0x47: {  	_ =	shalt  }
0x48: {  	_ =	shalt  }
0x49: {  	_ =	shalt  }
0x4a: {  	_ =	shalt  }
0x4b: {  	_ =	shalt  }
0x4c: {  	_ =	shalt  }
0x4d: {  	_ =	shalt  }
0x4e: {  	_ =	shalt  }
0x4f: {  	_ =	shalt  }
0x50: {  	_ =	shalt  }
0x51: {  	_ =	shalt  }
0x52: {  	_ =	shalt  }
0x53: {  	_ =	shalt  }
0x54: {  	_ =	shalt  }
0x55: {  	_ =	shalt  }
0x56: {  	_ =	shalt  }
0x57: {  	_ =	shalt  }
0x58: {  	_ =	shalt  }
0x59: {  	_ =	shalt  }
0x5a: {  	_ =	shalt  }
0x5b: {  	_ =	shalt  }
0x5c: {  	_ =	shalt  }
0x5d: {  	_ =	shalt  }
0x5e: {  	_ =	shalt  }
0x5f: {  	_ =	shalt  }
0x60: {  	_ =	shalt  }
0x61: {  	_ =	shalt  }
0x62: {  	_ =	shalt  }
0x63: {  	_ =	shalt  }
0x64: {  	_ =	shalt  }
0x65: {  	_ =	shalt  }
0x66: {  	_ =	shalt  }
0x67: {  	_ =	shalt  }
0x68: {  	_ =	shalt  }
0x69: {  	_ =	shalt  }
0x6a: {  	_ =	shalt  }
0x6b: {  	_ =	shalt  }
0x6c: {  	_ =	shalt  }
0x6d: {  	_ =	shalt  }
0x6e: {  	_ =	shalt  }
0x6f: {  	_ =	shalt  }
0x70: {  	_ =	shalt  }
0x71: {  	_ =	shalt  }
0x72: {  	_ =	shalt  }
0x73: {  	_ =	shalt  }
0x74: {  	_ =	shalt  }
0x75: {  	_ =	shalt  }
0x76: {  	_ =	shalt  }
0x77: {  	_ =	shalt  }
0x78: {  	_ =	shalt  }
0x79: {  	_ =	shalt  }
0x7a: {  	_ =	shalt  }
0x7b: {  	_ =	shalt  }
0x7c: {  	_ =	shalt  }
0x7d: {  	_ =	shalt  }
0x7e: {  	_ =	shalt  }
0x7f: {  	_ =	shalt  }
0x80: {  	_ =	shalt  }
0x81: {  	_ =	shalt  }
0x82: {  	_ =	shalt  }
0x83: {  	_ =	shalt  }
0x84: {  	_ =	shalt  }
0x85: {  	_ =	shalt  }
0x86: {  	_ =	shalt  }
0x87: {  	_ =	shalt  }
.Lfunc_end0:
.L_simem_size_0:
called_computation.2_lowered:
.L_overlay_start_0:
0x88: {  	s2 =	sld [smem:$0x3FD9]  }
0x89: {  	s3 =	sld [smem:$0x3FFE];
	_ =	sdelay $0x1  }
0x8a: {  	s1 =	srdreg.scid  }
0x8b: {  	s0 =	sand.u32 $0x1, s1  }
0x8c: {  	s16 =	sshll.u32 s0, $0xA;
	s2 =	sadd.s32 s3, s2  }
0x8d: {  	s2 =	sadd.s32 s2, s16  }
0x8e: {  	[smem:$0x3FC2] =	sst s2  }
0x8f: {  	_ = 	snop  }
0x90: {  	(tm) =	ssettm $0x1  }
0x91: {  	s17 =	sld [smem:$0x3FFB];
	_ =	sdelay $0x3  }
0x92: {  	_ =	strace s17  }
0x93: {  	s2 =	sld [smem:$0x3FFC];
	_ =	sdelay $0x3  }
0x94: {  	_ =	strace s2  }
0x95: {  	s2 =	sld [smem:$0x3FFD];
	_ =	sdelay $0x3  }
0x96: {  	_ =	strace s2  }
0x97: {  	_ =	strace $0x8FFFFFFF  }
0x98: {  	s18 =	sld [smem:$0x3FDB];
	_ =	sdelay $0x1  }
0x99: {  	s19 =	simm.s32 $_scs_section_size  }
0x9a: {  	s4 =	simm.s32 $_size__tile_overlayer_lowered;
	s5 =	simm.s32 $_tile_overlayer_lowered  }
0x9b: {  	s22 =	simm.s32 $0x1BFF;
	s21 =	sshll.u32 s5, $0x1;
	s2 =	sadd.s32 s19, s18  }
0x9c: {  	s6 =	simm.s32 $0x0;
	s20 =	sshll.u32 s4, $0x1;
	s4 =	sadd.s32 s21, s2  }
0x9d: {  	[timem:s6], [sflag:s22] =	dma.local [hbm:s4], s20  }
0x9e: {  	_ =	swait.ge [sflag:s22], s20  }
0x9f: {  	s3 =	ssub.s32 $0x0, s20;
	[sflag:s22] =	ssyncset.done $0x0  }
0xa0: {  	[sflag:s22] =	ssyncadd.s32 s3;
	_ =	sdelay $0x1  }
0xa1: {  	s23 =	simm.s32 $0x1B8B  }
0xa2: {  	_ =	swait.ge [sflag:s23], $0x1  }
0xa3: {  	[sflag:s23] =	ssyncset.done $0x0  }
0xa4: {  	s25 =	simm.s32 $0x1B8E;
	s24 =	sld [smem:$0x3FFE];
	[sflag:s23] =	ssyncadd.s32 $0xFFFFFFFF  }
0xa5: {  	s26 =	simm.s32 $execute0_lowered;
	[smem:$0x3FD2] =	sst s25  }
0xa6: {  	s4 =	sshll.u32 s26, $0x1;
	_ =	strace $0x8000004C;
	[dreg:$0x1] =	wrdreg $0xFFFFFFFF  }
0xa7: {  	s28 =	simm.s32 $_size_execute0_lowered;
	s2 =	sadd.s32 s2, s4;
	[dreg:$0x0] =	wrdreg $0x0  }
0xa8: {  	s4 =	sshll.u32 s28, $0x1;
	[dreg:$0x2] =	wrdreg s2  }
0xa9: {  	[dreg:$0x3] =	wrdreg s4  }
0xaa: {  	[dreg:$0x4] =	wrdreg $0xC0  }
0xab: {  	_ =	task [dreg:s6], $0x5FFFF  }
0xac: {  	[dreg:$0x1] =	wrdreg $0xFFFFFFFF  }
0xad: {  	[dreg:$0x0] =	wrdreg $0x60  }
0xae: {  	[dreg:$0x2] =	wrdreg s24  }
0xaf: {  	[dreg:$0x3] =	wrdreg $0xCE000  }
0xb0: {  	[dreg:$0x4] =	wrdreg $0x9  }
0xb1: {  	_ =	task.clear_ibuf [dreg:s6], $0x5FFFF;
	_ =	strace $0x9000004C  }
0xb2: {  	s29 =	simm.s32 $0x9;
	_ =	strace $0x8000004E  }
0xb3: {  	_ =	swait.ge [sflag:s29], $0x1  }
0xb4: {  	[sflag:s29] =	ssyncadd.s32 $0xFFFFFFFF  }
0xb5: {  	_ =	strace $0x9000004E  }
0xb6: {  	_ =	sfence  }
0xb7: {  	s30 =	sld [smem:$0x0];
	_ =	sdelay $0x2  }
0xb8: {  	s31 =	sshll.u32 s1, $0xD;
	s1 =	sshrl.u32 s1, $0x2  }
0xb9: {  	s3 =	sand.u32 $0x4000, s31;
	s1 =	sadd.s32 s1, s30  }
0xba: {  	s0 =	sor.u32 s3, s0;
	s1 =	sshll.u32 s1, $0x11  }
0xbb: {  	s0 =	sor.u32 s1, s0  }
0xbc: {  	s0 =	sadd.s32 $0x8F2B, s0  }
0xbd: {  	[sflag:s0] =	ssyncadd.remote.s32 $0x1  }
0xbe: {  	_ =	sfence.sel $0xFFFF  }
0xbf: {  	[dreg:$0x0] =	wrdreg $0xFFFFFFFF;
	(pc) =	sbr.abs _section_cstart, $3  }
0xc0: {  	[dreg:$0x1] =	wrdreg $0xFFFFFFFF  }
0xc1: {  	_ =	task.clear_ibuf [dreg:s6], $0x2FFFF;
	_ =	strace $0x9FFFFFFF  }
0xc2: {  	(tm) =	ssettm $0x7FFFFFFF  }
0xc3: {  	_ =	shalt  }
tec
execute0_lowered:
.L_overlay_start_1:
0x0: {  	(tag) =	ssettag $0x1  }
0x1: {  	s4 =	rddreg [dreg:$0x0];
	s0 =	srdreg.scid  }
0x2: {  	s2 =	rddreg [dreg:$0x1];
	s1 =	stileid.u32;
	s3 =	simm.s32 $0x0  }
0x3: {  	s15 =	simm.s32 $0x3;
	s16 =	simm.s32 $0x4F00;
	s17 =	simm.s32 $0x80  }
0x4: {  	s18 =	simm.s32 $0x9E00;
	s19 =	simm.s32 $0xAE00;
	s20 =	simm.s32 $0x1  }
0x5: {  	s21 =	simm.s32 $0x2;
	s22 =	simm.s32 $0x9D00;
	s7 =	smul.u32 $0x9E0, s1  }
0x6: {  	s5 =	sand.u32 $0x1, s0;
	s0 =	rddreg [dreg:$0x2];
	s8 =	smul.u32 $0x5000, s1  }
0x7: {  	s23 =	simm.s32 $0x9D80;
	[smem:$0x7FF] =	sst s3;
	s10 =	smul.u32 $0x14000, s1  }
0x8: {  	s6 =	smul.u32 $0x50000, s5;
	_ =	strace $0x8000004D;
	s5 =	ssub.s32 $0x2, s5  }
0x9: {  	s12 =	sadd.s32 s7, s4;
	s29 =	sshrl.u32 s10, $0x2;
	s30 =	sshrl.u32 s5, $0x1  }
0xa: {  	s9 =	sshrl.u32 s6, $0x3;
	s6 =	sadd.s32 s8, s6;
	s31 =	sadd.s32 s29, s2  }
0xb: {  	s14 =	ssub.s32 s5, s30;
	s10 =	sadd.s32 $0xC000, s12;
	s11 =	sadd.s32 s9, s4  }
0xc: {  	s6 =	sshrl.u32 s6, $0x3;
	s5 =	sadd.s32 $0x1000, s31;
	s7 =	sadd.s32 $0x3000, s31  }
0xd: {  	s9 =	sadd.s32 $0x2200, s12;
	s13 =	sadd.s32 s6, s4;
	s4 =	sadd.s32 s8, s2  }
0xe: {  	s6 =	sadd.s32 $0x2000, s31;
	s8 =	sadd.s32 $0x4000, s31;
	s11 =	sadd.s32 $0xB5E00, s11  }
0xf: {  	v0 =	vimm.f32 $0.0e+00;
	s12 =	sadd.s32 $0xC9E00, s13;
	s13 =	smax.u32 s14, $0x1;
	s14 =	simm.s32 $0xBE00  }
.LBB2_1:
0x10: {  	s24 =	simm.s32 $0x80;
	s25 =	simm.s32 $0x0  }
.LBB2_2:
0x11: {  	p0 =	sne.s32 s24, $0x3F80;
	[tilespmem:s25+$0xBE00] =	vst v0;
	s26 =	smov.u32 s24;
	s24 =	sadd.s32 $0x80, s24  }
.Ltmp0:
0x12: {  	[tilespmem:s25+$0xBE10] =	vst v0;
	(pc) =	sbr.rel @p0 .LBB2_2-.Ltmp0, $2  }
0x13: {  	_ =	sdelay $0x2  }
0x14: {  	s25 =	sshra.s32 s26, $0x2  }
0x15: {  	[tilespmem:s25+$0xBE00] =	vst v0  }
0x16: {  	[tilespmem:s25+$0xBE10] =	vst v0  }
0x17: {  	[spmem:s4] =	stream.linear.scatter [tilespmem:s14], [sflag:$0x3], $0x1000, $0x38;
	[tilespmem:$0x11E00] =	vst v63  }
0x18: {  	_ =	swait.ge [sflag:s15], $0x1000  }
0x19: {  	[sflag:s15] =	ssyncset.done $0x0  }
0x1a: {  	[sflag:s15] =	ssyncadd.s32 $0xFFFFF000  }
0x1b: {  	[spmem:s5] =	stream.linear.scatter [tilespmem:s14], [sflag:$0x3], $0x1000, $0x38;
	[tilespmem:$0x11E00] =	vst v63  }
0x1c: {  	_ =	swait.ge [sflag:s15], $0x1000  }
0x1d: {  	[sflag:s15] =	ssyncset.done $0x0  }
0x1e: {  	[sflag:s15] =	ssyncadd.s32 $0xFFFFF000  }
0x1f: {  	[spmem:s6] =	stream.linear.scatter [tilespmem:s14], [sflag:$0x3], $0x1000, $0x38;
	[tilespmem:$0x11E00] =	vst v63  }
0x20: {  	_ =	swait.ge [sflag:s15], $0x1000  }
0x21: {  	[sflag:s15] =	ssyncset.done $0x0  }
0x22: {  	[sflag:s15] =	ssyncadd.s32 $0xFFFFF000  }
0x23: {  	[spmem:s7] =	stream.linear.scatter [tilespmem:s14], [sflag:$0x3], $0x1000, $0x38;
	[tilespmem:$0x11E00] =	vst v63  }
0x24: {  	_ =	swait.ge [sflag:s15], $0x1000  }
0x25: {  	[sflag:s15] =	ssyncset.done $0x0  }
0x26: {  	[sflag:s15] =	ssyncadd.s32 $0xFFFFF000  }
0x27: {  	[spmem:s8] =	stream.linear.scatter [tilespmem:s14], [sflag:$0x3], $0x1000, $0x38;
	[tilespmem:$0x11E00] =	vst v63  }
0x28: {  	_ =	swait.ge [sflag:s15], $0x1000  }
0x29: {  	[sflag:s15] =	ssyncset.done $0x0  }
0x2a: {  	s24 =	simm.s32 $0x0;
	[sflag:s15] =	ssyncadd.s32 $0xFFFFF000  }
0x2b: {  	[tilespmem:s24], [sflag:$0x3] =	stream.linear.gather [hbm4b:s9+s24], $0x4F00, $0x38;
	[tilespmem:$0x11E00] =	vst v63  }
0x2c: {  	_ =	swait.ge [sflag:s15], $0x4F00  }
0x2d: {  	[sflag:s15] =	ssyncset.done $0x0  }
0x2e: {  	[sflag:s15] =	ssyncadd.s32 $0xFFFFB100  }
0x2f: {  	[tilespmem:s16], [sflag:$0x3] =	stream.linear.gather [hbm4b:s10+s24], $0x4F00, $0x38;
	[tilespmem:$0x11E00] =	vst v63  }
0x30: {  	_ =	swait.ge [sflag:s15], $0x4F00  }
0x31: {  	[sflag:s15] =	ssyncset.done $0x0  }
0x32: {  	[sflag:s15] =	ssyncadd.s32 $0xFFFFB100  }
0x33: {  	[bflag:$0x0] =	sbarrier.arrive $0xFFFF  }
0x34: {  	[tilespmem:s18], [sflag:$0x1] =	stream.indirect.gather [hbm4b:s11+s17], $0x20, s24, s17, $0xb8;
	[tilespmem:$0x11E00] =	vst v63  }
0x35: {  	_ = 	snop  }
0x36: {  	[tilespmem:s19], [sflag:$0x2] =	stream.indirect.gather [hbm4b:s11+s17], $0x20, s17, s17, $0xb8;
	[tilespmem:$0x11E00] =	vst v63  }
0x37: {  	_ =	swait.ge [sflag:s20], $0x1000  }
0x38: {  	[sflag:s20] =	ssyncset.done $0x0  }
0x39: {  	s29 =	simm.s32 $0x4F00;
	[sflag:s20] =	ssyncadd.s32 $0xFFFFF000  }
0x3a: {  	[spmem:s2] =	stream.indirect.scatter.add.f32 [tilespmem:s18], [sflag:$0x3], $0x20, s29, s17, $0xb8;
	[tilespmem:$0x11E00] =	vst v63  }
0x3b: {  	_ =	swait.ge [sflag:s15], $0x1000  }
0x3c: {  	[sflag:s15] =	ssyncset.done $0x0  }
0x3d: {  	s30 =	simm.s32 $0x100;
	[sflag:s15] =	ssyncadd.s32 $0xFFFFF000  }
0x3e: {  	[tilespmem:s18], [sflag:$0x1] =	stream.indirect.gather [hbm4b:s11+s17], $0x20, s30, s17, $0xb8;
	[tilespmem:$0x11E00] =	vst v63  }
0x3f: {  	_ =	swait.ge [sflag:s21], $0x1000  }
0x40: {  	[sflag:s21] =	ssyncset.done $0x0  }
0x41: {  	s31 =	simm.s32 $0x4F80;
	[sflag:s21] =	ssyncadd.s32 $0xFFFFF000  }
0x42: {  	[spmem:s2] =	stream.indirect.scatter.add.f32 [tilespmem:s19], [sflag:$0x3], $0x20, s31, s17, $0xb8;
	[tilespmem:$0x11E00] =	vst v63  }
0x43: {  	_ =	swait.ge [sflag:s15], $0x1000  }
0x44: {  	[sflag:s15] =	ssyncset.done $0x0  }
0x45: {  	s25 =	simm.s32 $0x180;
	s24 =	simm.s32 $0x400;
	[sflag:s15] =	ssyncadd.s32 $0xFFFFF000  }
.LBB2_4:
0x46: {  	[tilespmem:s19], [sflag:$0x2] =	stream.indirect.gather [hbm4b:s11+s17], $0x20, s25, s17, $0xb8;
	[tilespmem:$0x11E00] =	vst v63  }
0x47: {  	s25 =	smov.u32 s24  }
0x48: {  	p0 =	sne.s32 s24, $0x13400;
	s24 =	sadd.s32 $0x400, s24;
	_ =	swait.ge [sflag:s20], $0x1000  }
0x49: {  	s25 =	sshra.s32 s25, $0x2;
	[sflag:s20] =	ssyncset.done $0x0  }
0x4a: {  	s26 =	sadd.s32 $0x4F00, s25;
	[sflag:s20] =	ssyncadd.s32 $0xFFFFF000  }
0x4b: {  	[spmem:s2] =	stream.indirect.scatter.add.f32 [tilespmem:s18], [sflag:$0x3], $0x20, s26, s17, $0xb8;
	[tilespmem:$0x11E00] =	vst v63  }
0x4c: {  	_ =	swait.ge [sflag:s15], $0x1000  }
0x4d: {  	[sflag:s15] =	ssyncset.done $0x0  }
0x4e: {  	s26 =	sadd.s32 $0x100, s25;
	[sflag:s15] =	ssyncadd.s32 $0xFFFFF000  }
0x4f: {  	[tilespmem:s18], [sflag:$0x1] =	stream.indirect.gather [hbm4b:s11+s17], $0x20, s26, s17, $0xb8;
	[tilespmem:$0x11E00] =	vst v63  }
0x50: {  	_ =	swait.ge [sflag:s21], $0x1000  }
0x51: {  	[sflag:s21] =	ssyncset.done $0x0  }
.Ltmp1:
0x52: {  	s26 =	sadd.s32 $0x4F80, s25;
	[sflag:s21] =	ssyncadd.s32 $0xFFFFF000;
	(pc) =	sbr.rel @p0 .LBB2_4-.Ltmp1, $4  }
0x53: {  	[spmem:s2] =	stream.indirect.scatter.add.f32 [tilespmem:s19], [sflag:$0x3], $0x20, s26, s17, $0xb8;
	[tilespmem:$0x11E00] =	vst v63  }
0x54: {  	_ =	swait.ge [sflag:s15], $0x1000  }
0x55: {  	[sflag:s15] =	ssyncset.done $0x0  }
0x56: {  	s25 =	sadd.s32 $0x180, s25;
	[sflag:s15] =	ssyncadd.s32 $0xFFFFF000  }
0x57: {  	[tilespmem:s19], [sflag:$0x2] =	stream.indirect.gather [hbm4b:s11+s17], $0x20, s25, s17, $0xb8;
	[tilespmem:$0x11E00] =	vst v63  }
0x58: {  	_ =	swait.ge [sflag:s20], $0x1000  }
0x59: {  	[sflag:s20] =	ssyncset.done $0x0  }
0x5a: {  	[sflag:s20] =	ssyncadd.s32 $0xFFFFF000  }
0x5b: {  	[spmem:s2] =	stream.indirect.scatter.add.f32 [tilespmem:s18], [sflag:$0x3], $0x20, s22, s17, $0xb8;
	[tilespmem:$0x11E00] =	vst v63  }
0x5c: {  	_ =	swait.ge [sflag:s15], $0x1000  }
0x5d: {  	[sflag:s15] =	ssyncset.done $0x0  }
0x5e: {  	[sflag:s15] =	ssyncadd.s32 $0xFFFFF000  }
0x5f: {  	_ =	swait.ge [sflag:s21], $0x1000  }
0x60: {  	[sflag:s21] =	ssyncset.done $0x0  }
0x61: {  	[sflag:s21] =	ssyncadd.s32 $0xFFFFF000  }
0x62: {  	[spmem:s2] =	stream.indirect.scatter.add.f32 [tilespmem:s19], [sflag:$0x3], $0x20, s23, s17, $0xb8;
	[tilespmem:$0x11E00] =	vst v63  }
0x63: {  	_ =	swait.ge [sflag:s15], $0x1000  }
0x64: {  	s24 =	sshll.u32 s1, $0x6;
	s3 =	sadd.s32 $0x1, s3;
	[sflag:s15] =	ssyncset.done $0x0  }
0x65: {  	s31 =	sshrl.u32 s4, $0x3;
	p0 =	sne.s32 s3, s13;
	[sflag:s15] =	ssyncadd.s32 $0xFFFFF000  }
.Ltmp2:
0x66: {  	s24 =	sor.u32 $0x1C03, s24;
	[bflag:$0x0] =	sbarrier.arrive $0xFFFF;
	(pc) =	sbr.rel @p0 .LBB2_1-.Ltmp2, $4  }
0x67: {  	[hbm:s12], [sflag:s24] =	dma.local [spmem:s31], $0xA00  }
0x68: {  	_ =	swait.ge [sflag:s15], $0xA00  }
0x69: {  	[sflag:s15] =	ssyncset.done $0x0  }
0x6a: {  	[sflag:s15] =	ssyncadd.s32 $0xFFFFF600  }
0x6b: {  	_ =	sfence.sel $0x180000  }
0x6c: {  	[bflag:$0x0] =	sbarrier.arrive $0xFFFF  }
0x6d: {  	p0 =	sne.s32 s1, $0x0;
	_ =	strace $0x9000004D  }
0x6e: {  	s0 =	sadd.s32 @!p0 $0x100000, s0;
	[bflag:$0x2] =	sbarrier.arrive $0xFFFF  }
0x6f: {  	[sflag:s0] =	ssyncadd.tile.s32 @!p0 $0x1;
	_ =	shalt  }
.Lfunc_end2:
_tile_overlayer_lowered:
.L_overlay_start_2:
0x70: {  	(tag) =	ssettag $0x2  }
0x71: {  	s0 =	rddreg [dreg:$0x0];
	s2 =	stileid.u32  }
0x72: {  	s1 =	rddreg [dreg:$0x1];
	p0 =	sne.s32 s2, $0x0  }
0x73: {  	s3 =	rddreg [dreg:$0x2];
	[bflag:$0x3] =	sbarrier.arrive $0xFFFF;
	s2 =	simm.s32 @!p0 $0x1C03  }
0x74: {  	[timem:s3], [sflag:s2] =	dma.local @!p0 [hbm:s0], s1  }
0x75: {  	s0 =	simm.s32 @!p0 $0x3  }
0x76: {  	_ =	swait.ge @!p0 [sflag:s0], s1  }
0x77: {  	s1 =	ssub.s32 @!p0 $0x0, s1;
	[sflag:s0] =	ssyncset.done @!p0 $0x0  }
0x78: {  	[sflag:s0] =	ssyncadd.s32 @!p0 s1  }
0x79: {  	[bflag:$0x3] =	sbarrier.arrive $0xFFFF  }
0x7a: {  	_ =	shalt  }

// kernel: kernel.9.cloned.1.call-start
scs
__scs_entry_jumppad:
0x0: {  	(pc) =	sbr.rel $0x88, $3  }
0x1: {  	(tag) =	ssettag $0x0;
	lr =	simm.s32 $0x1  }
0x2: {  	[smem:$0x3F9B] =	sst lr;
	_ =	strace $0xD0000000  }
0x3: {  	_ = 	snop  }
0x4: {  	_ = 	snop  }
0x5: {  	_ = 	snop  }
0x6: {  	_ = 	snop  }
0x7: {  	_ = 	snop  }
__scs_overlays_trampoline_lowered:
0x8: {  	[smem:$0x3FAA] =	sst s0  }
0x9: {  	[smem:$0x3FAB] =	sst s1  }
0xa: {  	[smem:$0x3FAC] =	sst s2  }
0xb: {  	[smem:$0x3FAD] =	sst s3  }
0xc: {  	[smem:$0x3FAE] =	sst s4  }
0xd: {  	[smem:$0x3FAF] =	sst s5  }
0xe: {  	[smem:$0x3FB0] =	sst s6  }
0xf: {  	[smem:$0x3FB1] =	sst s7  }
0x10: {  	[smem:$0x3FB2] =	sst s8  }
0x11: {  	[smem:$0x3FB3] =	sst s9;
	s0 =	simm.s32 @!p0 $0x0  }
0x12: {  	s1 =	sld [smem:$0x3F99];
	s0 =	simm.s32 @p0 $0x1  }
0x13: {  	[smem:$0x3FB4] =	sst s0;
	s0 =	simm.s32 @!p1 $0x0  }
0x14: {  	s2 =	sld [smem:$0x3F98];
	s0 =	simm.s32 @p1 $0x1  }
0x15: {  	[smem:$0x3FB5] =	sst s0;
	s0 =	simm.s32 @!p2 $0x0  }
0x16: {  	s3 =	sld [smem:$0x3FDB];
	s0 =	simm.s32 @p2 $0x1  }
0x17: {  	s4 =	simm.s32 $0x1BF5;
	[smem:$0x3FB7] =	sst s0  }
0x18: {  	s0 =	sld [smem:$0x3F9A];
	_ =	swait.ge [sflag:s4], $0x0  }
0x19: {  	s7 =	sld [smem:$0x3F9B]  }
0x1a: {  	s8 =	sadd.s32 $0xFFFFE003, lr  }
0x1b: {  	s9 =	sadd.s32 $0xFFFFFEF7, lr;
	s5 =	simm.s32 $0xFFFFFFFF;
	p2 =	slt.u32 s8, $0xFFFFF086  }
0x1c: {  	p1 =	slt.u32 s9, $0xF7A;
	s5 =	simm.s32 @!p2 $0x0  }
0x1d: {  	s5 =	simm.s32 @p1 $0x1;
	p0 =	seq.s32 s7, s2  }
0x1e: {  	s7 =	smul.u32 @!p0 $0xF7A, s2;
	p2 =	seq.s32 @!p0 s5, $0x0  }
0x1f: {  	s9 =	smul.u32 $0xF7A, s1;
	s8 =	simm.s32 @!p0 $0x1BF5;
	p2 =	por !p2, p0  }
0x20: {  	[sflag:s8] =	ssyncset.s32 @!p0 $0xFFFFF086;
	s6 =	sadd.s32 @!p0 s3, s7;
	s7 =	simm.s32 @!p0 $0x108  }
0x21: {  	s3 =	sadd.s32 s3, s9;
	s6 =	sadd.s32 @!p0 $0x88, s6;
	s7 =	simm.s32 @p2 $0x1082  }
0x22: {  	[simem:s7], [sflag:s8] =	dma.local @!p0 [hbm:s6], $0xF7A  }
0x23: {  	s9 =	sor.u32 $0xD0000000, s2;
	s6 =	simm.s32 $0x108;
	_ =	swait.ge @!p0 [sflag:s8], $0x0  }
0x24: {  	s3 =	sadd.s32 $0x88, s3;
	s6 =	simm.s32 @!p1 $0x1082;
	[sflag:s4] =	ssyncset.s32 $0xFFFFF086  }
0x25: {  	[simem:s6], [sflag:s4] =	dma.local [hbm:s3], $0xF7A  }
0x26: {  	[smem:$0x3F9B] =	sst s1;
	(tag) =	ssettag s2;
	_ =	strace s9  }
0x27: {  	s1 =	sld [smem:$0x3FAB]  }
0x28: {  	s2 =	sld [smem:$0x3FAC]  }
0x29: {  	s4 =	sld [smem:$0x3FAE]  }
0x2a: {  	p0 =	seq.s32 s5, $0x0;
	s5 =	sld [smem:$0x3FAF]  }
0x2b: {  	s6 =	sld [smem:$0x3FB0]  }
0x2c: {  	s7 =	sld [smem:$0x3FB1]  }
0x2d: {  	s3 =	simm.s32 $0x108;
	s8 =	sld [smem:$0x3FB2]  }
0x2e: {  	s3 =	simm.s32 @!p0 $0x1082;
	s9 =	sld [smem:$0x3FB3]  }
0x2f: {  	lr =	sadd.s32 s0, s3;
	s0 =	sld [smem:$0x3FAA]  }
0x30: {  	s3 =	sld [smem:$0x3FAD]  }
0x31: {  	[smem:$0x3FB6] =	sst s10  }
0x32: {  	s10 =	sld [smem:$0x3FB4];
	_ =	sdelay $0x3  }
0x33: {  	p0 =	seq.s32 s10, $0x1;
	s10 =	sld [smem:$0x3FB6];
	_ =	sdelay $0x3  }
0x34: {  	[smem:$0x3FB6] =	sst s10  }
0x35: {  	s10 =	sld [smem:$0x3FB5];
	_ =	sdelay $0x3  }
0x36: {  	p1 =	seq.s32 s10, $0x1;
	s10 =	sld [smem:$0x3FB6];
	_ =	sdelay $0x3  }
0x37: {  	[smem:$0x3FB6] =	sst s10  }
0x38: {  	s10 =	sld [smem:$0x3FB7]  }
0x39: {  	_ = 	snop;
	(pc) =	sbr.ind lr, $3  }
0x3a: {  	_ = 	snop  }
0x3b: {  	_ = 	snop  }
0x3c: {  	p2 =	seq.s32 s10, $0x1;
	s10 =	sld [smem:$0x3FB6]  }
0x3d: {  	_ =	shalt  }
0x3e: {  	_ =	shalt  }
0x3f: {  	_ =	shalt  }
0x40: {  	_ =	shalt  }
0x41: {  	_ =	shalt  }
0x42: {  	_ =	shalt  }
0x43: {  	_ =	shalt  }
0x44: {  	_ =	shalt  }
0x45: {  	_ =	shalt  }
0x46: {  	_ =	shalt  }
0x47: {  	_ =	shalt  }
0x48: {  	_ =	shalt  }
0x49: {  	_ =	shalt  }
0x4a: {  	_ =	shalt  }
0x4b: {  	_ =	shalt  }
0x4c: {  	_ =	shalt  }
0x4d: {  	_ =	shalt  }
0x4e: {  	_ =	shalt  }
0x4f: {  	_ =	shalt  }
0x50: {  	_ =	shalt  }
0x51: {  	_ =	shalt  }
0x52: {  	_ =	shalt  }
0x53: {  	_ =	shalt  }
0x54: {  	_ =	shalt  }
0x55: {  	_ =	shalt  }
0x56: {  	_ =	shalt  }
0x57: {  	_ =	shalt  }
0x58: {  	_ =	shalt  }
0x59: {  	_ =	shalt  }
0x5a: {  	_ =	shalt  }
0x5b: {  	_ =	shalt  }
0x5c: {  	_ =	shalt  }
0x5d: {  	_ =	shalt  }
0x5e: {  	_ =	shalt  }
0x5f: {  	_ =	shalt  }
0x60: {  	_ =	shalt  }
0x61: {  	_ =	shalt  }
0x62: {  	_ =	shalt  }
0x63: {  	_ =	shalt  }
0x64: {  	_ =	shalt  }
0x65: {  	_ =	shalt  }
0x66: {  	_ =	shalt  }
0x67: {  	_ =	shalt  }
0x68: {  	_ =	shalt  }
0x69: {  	_ =	shalt  }
0x6a: {  	_ =	shalt  }
0x6b: {  	_ =	shalt  }
0x6c: {  	_ =	shalt  }
0x6d: {  	_ =	shalt  }
0x6e: {  	_ =	shalt  }
0x6f: {  	_ =	shalt  }
0x70: {  	_ =	shalt  }
0x71: {  	_ =	shalt  }
0x72: {  	_ =	shalt  }
0x73: {  	_ =	shalt  }
0x74: {  	_ =	shalt  }
0x75: {  	_ =	shalt  }
0x76: {  	_ =	shalt  }
0x77: {  	_ =	shalt  }
0x78: {  	_ =	shalt  }
0x79: {  	_ =	shalt  }
0x7a: {  	_ =	shalt  }
0x7b: {  	_ =	shalt  }
0x7c: {  	_ =	shalt  }
0x7d: {  	_ =	shalt  }
0x7e: {  	_ =	shalt  }
0x7f: {  	_ =	shalt  }
0x80: {  	_ =	shalt  }
0x81: {  	_ =	shalt  }
0x82: {  	_ =	shalt  }
0x83: {  	_ =	shalt  }
0x84: {  	_ =	shalt  }
0x85: {  	_ =	shalt  }
0x86: {  	_ =	shalt  }
0x87: {  	_ =	shalt  }
.Lfunc_end0:
.L_simem_size_0:
called_computation_lowered:
.L_overlay_start_0:
0x88: {  	s2 =	sld [smem:$0x3FD9]  }
0x89: {  	s3 =	sld [smem:$0x3FFE];
	_ =	sdelay $0x1  }
0x8a: {  	s1 =	srdreg.scid  }
0x8b: {  	s0 =	sand.u32 $0x1, s1  }
0x8c: {  	s17 =	sshll.u32 s0, $0xA;
	s2 =	sadd.s32 s3, s2  }
0x8d: {  	s2 =	sadd.s32 s2, s17  }
0x8e: {  	[smem:$0x3FC2] =	sst s2  }
0x8f: {  	_ = 	snop  }
0x90: {  	s2 =	sld [smem:$0x3FD0];
	(tm) =	ssettm $0x1  }
0x91: {  	s18 =	sld [smem:$0x3FFB];
	_ =	sdelay $0x3  }
0x92: {  	_ =	strace s18  }
0x93: {  	s3 =	sld [smem:$0x3FFC];
	_ =	sdelay $0x3  }
0x94: {  	_ =	strace s3  }
0x95: {  	s3 =	sld [smem:$0x3FFD];
	_ =	sdelay $0x3  }
0x96: {  	_ =	strace s3  }
0x97: {  	_ =	strace $0x8FFFFFFF  }
0x98: {  	s19 =	sld [smem:$0x3FDB];
	_ =	sdelay $0x1  }
0x99: {  	s4 =	simm.s32 $_scs_section_size  }
0x9a: {  	s5 =	simm.s32 $_size__tile_overlayer_lowered;
	s6 =	simm.s32 $_tile_overlayer_lowered  }
0x9b: {  	s22 =	simm.s32 $0x1BFF;
	s21 =	sshll.u32 s6, $0x1;
	s3 =	sadd.s32 s4, s19  }
0x9c: {  	s7 =	simm.s32 $0x0;
	s20 =	sshll.u32 s5, $0x1;
	s5 =	sadd.s32 s21, s3  }
0x9d: {  	[timem:s7], [sflag:s22] =	dma.local [hbm:s5], s20  }
0x9e: {  	_ =	swait.ge [sflag:s22], s20  }
0x9f: {  	s4 =	ssub.s32 $0x0, s20;
	[sflag:s22] =	ssyncset.done $0x0  }
0xa0: {  	[sflag:s22] =	ssyncadd.s32 s4;
	_ =	sdelay $0x1  }
0xa1: {  	s23 =	simm.s32 $0x1B8B  }
0xa2: {  	_ =	swait.ge [sflag:s23], $0x1  }
0xa3: {  	[sflag:s23] =	ssyncset.done $0x0  }
0xa4: {  	s25 =	simm.s32 $0x1B8E;
	s24 =	sld [smem:$0x3FFE];
	[sflag:s23] =	ssyncadd.s32 $0xFFFFFFFF  }
0xa5: {  	s26 =	simm.s32 $execute0_lowered;
	[smem:$0x3FD2] =	sst s25  }
0xa6: {  	s5 =	sshll.u32 s26, $0x1;
	_ =	strace $0x80000046;
	[dreg:$0x1] =	wrdreg $0xFFFFFFFF  }
0xa7: {  	s28 =	simm.s32 $_size_execute0_lowered;
	s3 =	sadd.s32 s3, s5;
	[dreg:$0x0] =	wrdreg $0x0  }
0xa8: {  	s5 =	sshll.u32 s28, $0x1;
	[dreg:$0x2] =	wrdreg s3  }
0xa9: {  	[dreg:$0x3] =	wrdreg s5  }
0xaa: {  	[dreg:$0x4] =	wrdreg $0xC0  }
0xab: {  	_ =	task [dreg:s7], $0x5FFFF  }
0xac: {  	[dreg:$0x1] =	wrdreg $0xFFFFFFFF  }
0xad: {  	[dreg:$0x0] =	wrdreg $0x60  }
0xae: {  	[dreg:$0x2] =	wrdreg s24  }
0xaf: {  	[dreg:$0x3] =	wrdreg s2  }
0xb0: {  	[dreg:$0x4] =	wrdreg $0x5F000  }
0xb1: {  	[dreg:$0x5] =	wrdreg $0x9  }
0xb2: {  	_ =	task.clear_ibuf [dreg:s7], $0x6FFFF;
	_ =	strace $0x90000046  }
0xb3: {  	s29 =	simm.s32 $0x9;
	_ =	strace $0x80000048  }
0xb4: {  	_ =	swait.ge [sflag:s29], $0x1  }
0xb5: {  	[sflag:s29] =	ssyncadd.s32 $0xFFFFFFFF  }
0xb6: {  	_ =	strace $0x90000048  }
0xb7: {  	_ =	sfence  }
0xb8: {  	s30 =	sld [smem:$0x0];
	_ =	sdelay $0x2  }
0xb9: {  	s31 =	sshll.u32 s1, $0xD;
	s1 =	sshrl.u32 s1, $0x2  }
0xba: {  	s3 =	sand.u32 $0x4000, s31;
	s1 =	sadd.s32 s1, s30  }
0xbb: {  	s0 =	sor.u32 s3, s0;
	s1 =	sshll.u32 s1, $0x11  }
0xbc: {  	s0 =	sor.u32 s1, s0  }
0xbd: {  	s0 =	sadd.s32 $0x8F2B, s0  }
0xbe: {  	[sflag:s0] =	ssyncadd.remote.s32 $0x1  }
0xbf: {  	_ =	sfence.sel $0xFFFF  }
0xc0: {  	[dreg:$0x0] =	wrdreg $0xFFFFFFFF;
	(pc) =	sbr.abs _section_cstart, $3  }
0xc1: {  	[dreg:$0x1] =	wrdreg $0xFFFFFFFF  }
0xc2: {  	_ =	task.clear_ibuf [dreg:s7], $0x2FFFF;
	_ =	strace $0x9FFFFFFF  }
0xc3: {  	(tm) =	ssettm $0x7FFFFFFF  }
tec
execute0_lowered:
.L_overlay_start_1:
0x0: {  	(tag) =	ssettag $0x1  }
0x1: {  	s4 =	rddreg [dreg:$0x0]  }
0x2: {  	s10 =	rddreg [dreg:$0x1]  }
0x3: {  	s2 =	rddreg [dreg:$0x2]  }
0x4: {  	s0 =	rddreg [dreg:$0x3];
	s3 =	simm.s32 $0x0;
	s1 =	stileid.u32  }
0x5: {  	s6 =	srdreg.scid;
	s15 =	simm.s32 $0x80;
	s5 =	smul.u32 $0x9E0, s1  }
0x6: {  	s16 =	simm.s32 $0x4F00;
	[smem:$0x7FF] =	sst s3;
	s29 =	smul.u32 $0xA000, s1  }
0x7: {  	s8 =	sand.u32 $0x1, s6;
	s7 =	smul.u32 $0x2800, s1;
	s17 =	sshll.u32 s1, $0x6  }
0x8: {  	_ =	strace $0x80000047;
	s30 =	ssub.s32 $0x2, s8;
	s11 =	smul.u32 $0x28000, s8  }
0x9: {  	s14 =	smul.u32 $0x9E00, s8;
	s17 =	sor.u32 $0x1C01, s17;
	s9 =	sadd.s32 s5, s4  }
0xa: {  	s31 =	sshrl.u32 s30, $0x1;
	s6 =	sshrl.u32 s29, $0x2;
	s4 =	sadd.s32 s7, s2  }
0xb: {  	s12 =	ssub.s32 s30, s31;
	s13 =	sadd.s32 s6, s2;
	s11 =	sadd.s32 s7, s11  }
0xc: {  	s9 =	sadd.s32 $0xC000, s9;
	s18 =	sshrl.u32 s4, $0x3;
	s5 =	sadd.s32 $0x800, s13  }
0xd: {  	s6 =	sadd.s32 $0x1000, s13;
	s7 =	sadd.s32 $0x1800, s13;
	s11 =	sshrl.u32 s11, $0x3  }
0xe: {  	s8 =	sadd.s32 $0x2000, s13;
	s13 =	simm.s32 $0x5700;
	s10 =	sadd.s32 s10, s11  }
0xf: {  	v0 =	vimm.f32 $1.000000000e+00;
	v1 =	vimm.f32 $0.0e+00;
	s11 =	smax.u32 s12, $0x1;
	s12 =	sshrl.u32 s14, $0x2;
	s14 =	simm.s32 $0x1  }
.LBB2_1:
0x10: {  	s19 =	simm.s32 $0x0  }
.LBB2_2:
0x11: {  	p0 =	sne.s32 s19, $0x1FC0  }
.Ltmp0:
0x12: {  	_ = 	snop;
	(pc) =	sbr.rel @p0 .LBB2_2-.Ltmp0, $3  }
0x13: {  	_ =	sdelay $0x1  }
0x14: {  	s20 =	sshra.s32 s19, $0x2  }
0x15: {  	s19 =	sadd.s32 $0x40, s19;
	[tilespmem:s20+$0x4F00] =	vst v0  }
0x16: {  	s19 =	simm.s32 $0x40;
	s20 =	simm.s32 $0x0  }
.LBB2_4:
0x17: {  	p0 =	sne.s32 s19, $0x1FC0;
	[tilespmem:s20+$0x5700] =	vst v1;
	s20 =	smov.u32 s19;
	s19 =	sadd.s32 $0x40, s19  }
.Ltmp1:
0x18: {  	(pc) =	sbr.rel @p0 .LBB2_4-.Ltmp1, $2  }
0x19: {  	_ =	sdelay $0x2  }
0x1a: {  	s20 =	sshra.s32 s20, $0x2  }
0x1b: {  	[tilespmem:s20+$0x5700] =	vst v1  }
0x1c: {  	[spmem:s4] =	stream.linear.scatter [tilespmem:s13], [sflag:$0x1], $0x800, $0x38;
	[tilespmem:$0x8700] =	vst v63  }
0x1d: {  	_ =	swait.ge [sflag:s14], $0x800  }
0x1e: {  	[sflag:s14] =	ssyncset.done $0x0  }
0x1f: {  	[sflag:s14] =	ssyncadd.s32 $0xFFFFF800  }
0x20: {  	[spmem:s5] =	stream.linear.scatter [tilespmem:s13], [sflag:$0x1], $0x800, $0x38;
	[tilespmem:$0x8700] =	vst v63  }
0x21: {  	_ =	swait.ge [sflag:s14], $0x800  }
0x22: {  	[sflag:s14] =	ssyncset.done $0x0  }
0x23: {  	[sflag:s14] =	ssyncadd.s32 $0xFFFFF800  }
0x24: {  	[spmem:s6] =	stream.linear.scatter [tilespmem:s13], [sflag:$0x1], $0x800, $0x38;
	[tilespmem:$0x8700] =	vst v63  }
0x25: {  	_ =	swait.ge [sflag:s14], $0x800  }
0x26: {  	[sflag:s14] =	ssyncset.done $0x0  }
0x27: {  	[sflag:s14] =	ssyncadd.s32 $0xFFFFF800  }
0x28: {  	[spmem:s7] =	stream.linear.scatter [tilespmem:s13], [sflag:$0x1], $0x800, $0x38;
	[tilespmem:$0x8700] =	vst v63  }
0x29: {  	_ =	swait.ge [sflag:s14], $0x800  }
0x2a: {  	[sflag:s14] =	ssyncset.done $0x0  }
0x2b: {  	[sflag:s14] =	ssyncadd.s32 $0xFFFFF800  }
0x2c: {  	[spmem:s8] =	stream.linear.scatter [tilespmem:s13], [sflag:$0x1], $0x800, $0x38;
	[tilespmem:$0x8700] =	vst v63  }
0x2d: {  	_ =	swait.ge [sflag:s14], $0x800  }
0x2e: {  	[sflag:s14] =	ssyncset.done $0x0  }
0x2f: {  	s19 =	simm.s32 $0x0;
	[sflag:s14] =	ssyncadd.s32 $0xFFFFF800  }
0x30: {  	[tilespmem:s19], [sflag:$0x1] =	stream.linear.gather [hbm4b:s9+s19], $0x4F00, $0x38;
	[tilespmem:$0x8700] =	vst v63  }
0x31: {  	_ =	swait.ge [sflag:s14], $0x4F00  }
0x32: {  	[sflag:s14] =	ssyncset.done $0x0  }
0x33: {  	[sflag:s14] =	ssyncadd.s32 $0xFFFFB100  }
0x34: {  	s31 =	sadd.s32 $0x0, s12;
	[bflag:$0x0] =	sbarrier.arrive $0xFFFF  }
0x35: {  	[spmem:s2] =	stream.indirect.scatter.add.f32 [tilespmem:s16], [sflag:$0x1], $0x10, s31, s15, $0xb8;
	[tilespmem:$0x8700] =	vst v63  }
0x36: {  	s19 =	simm.s32 $0x200;
	_ =	swait.ge [sflag:s14], $0x800  }
.LBB2_6:
0x37: {  	s20 =	sshra.s32 s19, $0x2;
	[sflag:s14] =	ssyncset.done $0x0;
	p0 =	sne.s32 s19, $0x9C00  }
.Ltmp2:
0x38: {  	s20 =	sadd.s32 s20, s12;
	[sflag:s14] =	ssyncadd.s32 $0xFFFFF800;
	(pc) =	sbr.rel @p0 .LBB2_6-.Ltmp2, $3  }
0x39: {  	[spmem:s2] =	stream.indirect.scatter.add.f32 [tilespmem:s16], [sflag:$0x1], $0x10, s20, s15, $0xb8;
	[tilespmem:$0x8700] =	vst v63  }
0x3a: {  	s19 =	sadd.s32 $0x200, s19;
	_ =	sdelay $0x1  }
0x3b: {  	_ =	swait.ge [sflag:s14], $0x800  }
0x3c: {  	[sflag:s14] =	ssyncset.done $0x0;
	s3 =	sadd.s32 $0x1, s3  }
0x3d: {  	[sflag:s14] =	ssyncadd.s32 $0xFFFFF800;
	p0 =	sne.s32 s3, s11  }
.Ltmp3:
0x3e: {  	[bflag:$0x0] =	sbarrier.arrive $0xFFFF;
	(pc) =	sbr.rel @p0 .LBB2_1-.Ltmp3, $4  }
0x3f: {  	[hbm:s10], [sflag:s17] =	dma.local [spmem:s18], $0x500  }
0x40: {  	_ =	swait.ge [sflag:s14], $0x500  }
0x41: {  	[sflag:s14] =	ssyncset.done $0x0  }
0x42: {  	[sflag:s14] =	ssyncadd.s32 $0xFFFFFB00  }
0x43: {  	_ =	sfence.sel $0x180000  }
0x44: {  	[bflag:$0x0] =	sbarrier.arrive $0xFFFF  }
0x45: {  	p0 =	sne.s32 s1, $0x0;
	_ =	strace $0x90000047  }
0x46: {  	s0 =	sadd.s32 @!p0 $0x100000, s0;
	[bflag:$0x2] =	sbarrier.arrive $0xFFFF  }
0x47: {  	[sflag:s0] =	ssyncadd.tile.s32 @!p0 $0x1;
	_ =	shalt  }
.Lfunc_end2:
_tile_overlayer_lowered:
.L_overlay_start_2:
0x48: {  	(tag) =	ssettag $0x2  }
0x49: {  	s0 =	rddreg [dreg:$0x0];
	s2 =	stileid.u32  }
0x4a: {  	s1 =	rddreg [dreg:$0x1];
	p0 =	sne.s32 s2, $0x0  }
0x4b: {  	s3 =	rddreg [dreg:$0x2];
	[bflag:$0x3] =	sbarrier.arrive $0xFFFF;
	s2 =	simm.s32 @!p0 $0x1C01  }
0x4c: {  	[timem:s3], [sflag:s2] =	dma.local @!p0 [hbm:s0], s1  }
0x4d: {  	s0 =	simm.s32 @!p0 $0x1  }
0x4e: {  	_ =	swait.ge @!p0 [sflag:s0], s1  }
0x4f: {  	s1 =	ssub.s32 @!p0 $0x0, s1;
	[sflag:s0] =	ssyncset.done @!p0 $0x0  }
0x50: {  	[sflag:s0] =	ssyncadd.s32 @!p0 s1  }
0x51: {  	[bflag:$0x3] =	sbarrier.arrive $0xFFFF  }
0x52: {  	_ =	shalt  }

</sc_bundles>
